<compile_context>
chip_gen: v7x
topology: tpu7x:2x2x1
jax: 0.10.2.dev20260603
libtpu: 0.0.44.dev20260713+nightly
codegen_flags: <defaults>
</compile_context>

<pallas_src>
import functools
import jax
import jax.numpy as jnp
from jax import lax
from jax.experimental import pallas as pl
from jax.experimental.pallas import tpu as pltpu
from jax.experimental.pallas import tpu_sc as plsc

_B, _N, _K = 4, 4096, 64
_LAT, _D = 128, 32
_ITEMS = _B * _N * _K
_ROWS = _B * _N
_NW = 32
_PER_W = _ITEMS // _NW
_CHUNK = 256
_NCHUNK = _PER_W // _CHUNK
_RPS = 2 * _N
_PSTRIDE = _CHUNK + 1
_L = 16
_SCALE = float(_D) ** -0.5


def _kq_body(f_ref, wk_ref, bk_ref, wq_ref, bq_ref, k_ref, q_ref):
    f = f_ref[...]
    k_ref[...] = (
        jnp.dot(f, wk_ref[...], preferred_element_type=jnp.float32,
                precision=lax.Precision.HIGHEST) + bk_ref[...]
    )
    q_ref[...] = (
        jnp.dot(f, wq_ref[...], preferred_element_type=jnp.float32,
                precision=lax.Precision.HIGHEST) + bq_ref[...]
    )


def _make_tables(features2d, Wk, bk2d, Wq, bq2d):
    R = 2048
    grid = (_ROWS // R,)
    return pl.pallas_call(
        _kq_body,
        grid=grid,
        in_specs=[
            pl.BlockSpec((R, _LAT), lambda i: (i, 0)),
            pl.BlockSpec((_LAT, _D), lambda i: (0, 0)),
            pl.BlockSpec((1, _D), lambda i: (0, 0)),
            pl.BlockSpec((_LAT, _D), lambda i: (0, 0)),
            pl.BlockSpec((1, _D), lambda i: (0, 0)),
        ],
        out_specs=[
            pl.BlockSpec((R, _D), lambda i: (i, 0)),
            pl.BlockSpec((R, _D), lambda i: (i, 0)),
        ],
        out_shape=[
            jax.ShapeDtypeStruct((_ROWS, _D), jnp.float32),
            jax.ShapeDtypeStruct((_ROWS, _D), jnp.float32),
        ],
    )(features2d, Wk, bk2d, Wq, bq2d)


def _affinity_body(ks_hbm, qs_hbm, xidx_hbm, yidx_hbm, out_hbm,
                   xidx0, yidx0, xidx1, yidx1, xrows0, yrows0,
                   xrows1, yrows1, prod_v, outbig, ks_sh, qs_sh,
                   semg0, semg1, semi0, semi1):
    sid = lax.axis_index("s")
    cid = lax.axis_index("c")
    wid = cid * 16 + sid
    wbase = wid * _PER_W

    stripe = _RPS // 16
    srow = sid * stripe
    grow = cid * _RPS + srow
    pltpu.sync_copy(ks_hbm.at[pl.ds(grow, stripe)], ks_sh.at[pl.ds(srow, stripe)])
    pltpu.sync_copy(qs_hbm.at[pl.ds(grow, stripe)], qs_sh.at[pl.ds(srow, stripe)])
    plsc.subcore_barrier()
    row_off = (sid // 8) * _N
    scatter_base = lax.iota(jnp.int32, _L) * _PSTRIDE
    slots = ((xidx0, yidx0, xrows0, yrows0, semg0, semi0),
             (xidx1, yidx1, xrows1, yrows1, semg1, semi1))

    def idx_start(c, s):
        xidx_v, yidx_v, _, _, _, semi = slots[s]
        base = wbase + c * _CHUNK
        pltpu.make_async_copy(
            xidx_hbm.at[pl.ds(base, _CHUNK)], xidx_v, semi).start()
        pltpu.make_async_copy(
            yidx_hbm.at[pl.ds(base, _CHUNK)], yidx_v, semi).start()

    def prep(c, s):
        xidx_v, yidx_v, xrows_v, yrows_v, semg, semi = slots[s]
        base = wbase + c * _CHUNK
        pltpu.make_async_copy(
            xidx_hbm.at[pl.ds(base, _CHUNK)], xidx_v, semi).wait()
        pltpu.make_async_copy(
            yidx_hbm.at[pl.ds(base, _CHUNK)], yidx_v, semi).wait()

        @plsc.parallel_loop(0, _CHUNK // _L, unroll=4)
        def _rebase(i):
            sl = pl.ds(i * _L, _L)
            xidx_v[sl] = xidx_v[sl] + row_off
            yidx_v[sl] = yidx_v[sl] + row_off

        pltpu.make_async_copy(ks_sh.at[xidx_v], xrows_v, semg).start()
        pltpu.make_async_copy(qs_sh.at[yidx_v], yrows_v, semg).start()

    def consume(c, s):
        xidx_v, yidx_v, xrows_v, yrows_v, semg, semi = slots[s]
        pltpu.make_async_copy(ks_sh.at[xidx_v], xrows_v, semg).wait()
        pltpu.make_async_copy(qs_sh.at[yidx_v], yrows_v, semg).wait()

        @pl.when(c + 2 < _NCHUNK)
        def _():
            idx_start(c + 2, s)

        @plsc.parallel_loop(0, _CHUNK, unroll=16)
        def _item(i):
            x0 = xrows_v[i, pl.ds(0, _L)]
            y0 = yrows_v[i, pl.ds(0, _L)]
            x1 = xrows_v[i, pl.ds(_L, _L)]
            y1 = yrows_v[i, pl.ds(_L, _L)]
            p = x0 * y0 + x1 * y1
            plsc.store_scatter(prod_v, [scatter_base + i], p)

        obase = c * _CHUNK

        @plsc.parallel_loop(0, _CHUNK // _L, unroll=4)
        def _group(g):
            ts = [prod_v[pl.ds(s2 * _PSTRIDE + g * _L, _L)]
                  for s2 in range(_L)]
            while len(ts) > 1:
                ts = [ts[j] + ts[j + 1] for j in range(0, len(ts), 2)]
            outbig[pl.ds(obase + g * _L, _L)] = ts[0] * _SCALE

    idx_start(0, 0)
    prep(0, 0)
    idx_start(1, 1)

    def body2(c2, _):
        c = c2 * 2
        prep(c + 1, 1)
        consume(c, 0)

        @pl.when(c + 2 < _NCHUNK)
        def _():
            prep(c + 2, 0)

        consume(c + 1, 1)
        return 0

    lax.fori_loop(0, _NCHUNK // 2, body2, 0)
    pltpu.sync_copy(outbig, out_hbm.at[pl.ds(wbase, _PER_W)])


@functools.partial(
    pl.kernel,
    out_type=jax.ShapeDtypeStruct((_ITEMS,), jnp.float32),
    mesh=plsc.VectorSubcoreMesh(core_axis_name="c", subcore_axis_name="s"),
    scratch_types=[
        pltpu.VMEM((_CHUNK,), jnp.int32),
        pltpu.VMEM((_CHUNK,), jnp.int32),
        pltpu.VMEM((_CHUNK,), jnp.int32),
        pltpu.VMEM((_CHUNK,), jnp.int32),
        pltpu.VMEM((_CHUNK, _D), jnp.float32),
        pltpu.VMEM((_CHUNK, _D), jnp.float32),
        pltpu.VMEM((_CHUNK, _D), jnp.float32),
        pltpu.VMEM((_CHUNK, _D), jnp.float32),
        pltpu.VMEM((_L * _PSTRIDE,), jnp.float32),
        pltpu.VMEM((_PER_W,), jnp.float32),
        pltpu.VMEM_SHARED((_RPS, _D), jnp.float32),
        pltpu.VMEM_SHARED((_RPS, _D), jnp.float32),
        pltpu.SemaphoreType.DMA,
        pltpu.SemaphoreType.DMA,
        pltpu.SemaphoreType.DMA,
        pltpu.SemaphoreType.DMA,
    ],
    compiler_params=pltpu.CompilerParams(
        needs_layout_passes=False, use_tc_tiling_on_sc=False),
)
def _affinity(ks_hbm, qs_hbm, xidx_hbm, yidx_hbm, out_hbm,
              xidx0, yidx0, xidx1, yidx1, xrows0, yrows0,
              xrows1, yrows1, prod_v, outbig, ks_sh, qs_sh,
              semg0, semg1, semi0, semi1):
    _affinity_body(ks_hbm, qs_hbm, xidx_hbm, yidx_hbm, out_hbm,
                   xidx0, yidx0, xidx1, yidx1, xrows0, yrows0,
                   xrows1, yrows1, prod_v, outbig, ks_sh, qs_sh,
                   semg0, semg1, semi0, semi1)


@jax.jit
def kernel(indices, img, features, Wk, bk, Wq, bq):
    del img
    ks, qs = _make_tables(
        features.reshape(_ROWS, _LAT), Wk, bk.reshape(1, _D),
        Wq, bq.reshape(1, _D))
    x_idx = indices[1].reshape(_ITEMS)
    y_idx = indices[2].reshape(_ITEMS)
    out = _affinity(ks, qs, x_idx, y_idx)
    return out.reshape(_B, _N, _K)

# --- scband reference (transcript-rebuilt; emitter-appended) ---
"""Pipeline reference for scband-general-affinity-calculator-59725815218716 (READ-ONLY COPY).

The authoritative reference and input builder live on the scoring server;
editing this copy changes nothing except your own understanding.
"""

import jax, jax.numpy as jnp
import numpy as np


def setup_inputs(seed: int = 0) -> dict:
    key = jax.random.key(seed)
    k1, k2, k3, k4, k5, k6 = jax.random.split(key, 6)
    B, N, K = 4, 4096, 64
    latent_dim, kq_dim = 128, 32
    indices = jax.random.randint(k1, (3, B, N, K), 0, N, dtype=jnp.int32)
    img = jax.random.normal(k2, (4, 3, 64, 64), dtype=jnp.float32)
    features = jax.random.normal(k3, (B, N, latent_dim), dtype=jnp.float32)
    # nn.Linear params: weight [out, in] used as x @ W.T + b; store transposed [in, out]
    lim = 1.0 / np.sqrt(latent_dim)
    Wk = jax.random.uniform(k4, (latent_dim, kq_dim), minval=-lim, maxval=lim, dtype=jnp.float32)
    bk = jax.random.uniform(k5, (kq_dim,), minval=-lim, maxval=lim, dtype=jnp.float32)
    Wq = jax.random.uniform(k6, (latent_dim, kq_dim), minval=-lim, maxval=lim, dtype=jnp.float32)
    bq = jax.random.uniform(jax.random.fold_in(key, 7), (kq_dim,), minval=-lim, maxval=lim, dtype=jnp.float32)
    return {"indices": indices, "img": img, "features": features,
            "Wk": Wk, "bk": bk, "Wq": Wq, "bq": bq}


def reference(indices, img, features, Wk, bk, Wq, bq):
    # GeneralAffinityCalculator.calculate_affinity_logits, 'features' branch
    _, B, N, K = indices.shape
    flatten_ks = features @ Wk + bk  # [B, N, D]
    flatten_qs = features @ Wq + bq  # [B, N, D]
    D = flatten_ks.shape[-1]
    # indices[[0,1],...][-1] == indices[1]; indices[[0,2],...][-1] == indices[2]
    x_idx = indices[1].reshape(B, N * K)[:, :, None]  # [B, N*K, 1]
    y_idx = indices[2].reshape(B, N * K)[:, :, None]
    x_features = jnp.take_along_axis(flatten_ks, x_idx, axis=1).reshape(B, N, K, D)
    y_features = jnp.take_along_axis(flatten_qs, y_idx, axis=1).reshape(B, N, K, D)
    logits = (x_features * y_features).sum(axis=-1) * (D ** -0.5)
    return logits.reshape(B, N, K)

if __name__ == "__main__":
    import jax
    _d = setup_inputs()
    print(jax.jit(kernel)(*tuple(_d.values())))

</pallas_src>

<mosaic_0001>
#map = affine_map<(d0, d1) -> (0, 0)>
#map1 = affine_map<(d0, d1) -> (0)>
module attributes {stable_mosaic.version = 14 : i64} {
  func.func @_affinity(%arg0: i32, %arg1: i32, %arg2: memref<16384x32xf32, #tpu.memory_space<hbm>>, %arg3: memref<16384x32xf32, #tpu.memory_space<hbm>>, %arg4: memref<1048576xi32, #tpu.memory_space<hbm>>, %arg5: memref<1048576xi32, #tpu.memory_space<hbm>>, %arg6: memref<1048576xf32, #tpu.memory_space<hbm>>, %arg7: memref<256xi32, #tpu.memory_space<vmem>>, %arg8: memref<256xi32, #tpu.memory_space<vmem>>, %arg9: memref<256xi32, #tpu.memory_space<vmem>>, %arg10: memref<256xi32, #tpu.memory_space<vmem>>, %arg11: memref<256x32xf32, #tpu.memory_space<vmem>>, %arg12: memref<256x32xf32, #tpu.memory_space<vmem>>, %arg13: memref<256x32xf32, #tpu.memory_space<vmem>>, %arg14: memref<256x32xf32, #tpu.memory_space<vmem>>, %arg15: memref<4112xf32, #tpu.memory_space<vmem>>, %arg16: memref<32768xf32, #tpu.memory_space<vmem>>, %arg17: memref<8192x32xf32, #tpu.memory_space<vmem_shared>>, %arg18: memref<8192x32xf32, #tpu.memory_space<vmem_shared>>, %arg19: memref<!tpu.dma_semaphore, #tpu.memory_space<semaphore_mem>>, %arg20: memref<!tpu.dma_semaphore, #tpu.memory_space<semaphore_mem>>, %arg21: memref<!tpu.dma_semaphore, #tpu.memory_space<semaphore_mem>>, %arg22: memref<!tpu.dma_semaphore, #tpu.memory_space<semaphore_mem>>) attributes {dimension_semantics = [#tpu.dimension_semantics<core_parallel>, #tpu.dimension_semantics<subcore_parallel>], iteration_bounds = array<i64: 2, 16>, scalar_prefetch = 0 : i64, scratch_operands = 16 : i64, tpu.core_type = #tpu.core_type<sc_vector_subcore>, window_params = [{transform_indices = #map}, {transform_indices = #map}, {transform_indices = #map1}, {transform_indices = #map1}, {transform_indices = #map1}]} {
    %mul3A = arith.constant 16 : i32
    %mul3A_0 = arith.muli %arg0, %mul3A : i32
    %add3A = arith.addi %mul3A_0, %arg1 : i32
    %mul3A_1 = arith.constant 32768 : i32
    %mul3A_2 = arith.muli %add3A, %mul3A_1 : i32
    %mul3A_3 = arith.constant 512 : i32
    %mul3A_4 = arith.muli %arg1, %mul3A_3 : i32
    %mul3A_5 = arith.constant 8192 : i32
    %mul3A_6 = arith.muli %arg0, %mul3A_5 : i32
    %add3A_7 = arith.addi %mul3A_6, %mul3A_4 : i32
    "tpu.region"() ({
      %run_scoped3A = tpu.sem_alloc : memref<!tpu.dma_semaphore, #tpu.memory_space<semaphore_mem>>
      %dma_start3A_59 = arith.constant 0 : i32
      %dma_start3A_60 = tpu.memref_slice %arg17[%mul3A_4, %dma_start3A_59] : memref<8192x32xf32, #tpu.memory_space<vmem_shared>> -> memref<512x32xf32, #tpu.memory_space<vmem_shared>>
      %dma_start3A_61 = arith.constant 0 : i32
      %dma_start3A_62 = tpu.memref_slice %arg2[%add3A_7, %dma_start3A_61] : memref<16384x32xf32, #tpu.memory_space<hbm>> -> memref<512x32xf32, #tpu.memory_space<hbm>>
      tpu.enqueue_dma source(%dma_start3A_62 : memref<512x32xf32, #tpu.memory_space<hbm>>) target(%dma_start3A_60 : memref<512x32xf32, #tpu.memory_space<vmem_shared>>) target_semaphore(%run_scoped3A : memref<!tpu.dma_semaphore, #tpu.memory_space<semaphore_mem>>)
      %dma_wait3A_63 = arith.constant 0 : i32
      %dma_wait3A_64 = tpu.memref_slice %arg17[%mul3A_4, %dma_wait3A_63] : memref<8192x32xf32, #tpu.memory_space<vmem_shared>> -> memref<512x32xf32, #tpu.memory_space<vmem_shared>>
      %dma_wait3A_65 = arith.constant 0 : i32
      %dma_wait3A_66 = tpu.memref_slice %arg2[%add3A_7, %dma_wait3A_65] : memref<16384x32xf32, #tpu.memory_space<hbm>> -> memref<512x32xf32, #tpu.memory_space<hbm>>
      tpu.wait_dma2 semaphore(%run_scoped3A : memref<!tpu.dma_semaphore, #tpu.memory_space<semaphore_mem>>) src(%dma_wait3A_66 : memref<512x32xf32, #tpu.memory_space<hbm>>) dst(%dma_wait3A_64 : memref<512x32xf32, #tpu.memory_space<vmem_shared>>)
      tpu.yield
    }) : () -> ()
    "tpu.region"() ({
      %run_scoped3A = tpu.sem_alloc : memref<!tpu.dma_semaphore, #tpu.memory_space<semaphore_mem>>
      %dma_start3A_59 = arith.constant 0 : i32
      %dma_start3A_60 = tpu.memref_slice %arg18[%mul3A_4, %dma_start3A_59] : memref<8192x32xf32, #tpu.memory_space<vmem_shared>> -> memref<512x32xf32, #tpu.memory_space<vmem_shared>>
      %dma_start3A_61 = arith.constant 0 : i32
      %dma_start3A_62 = tpu.memref_slice %arg3[%add3A_7, %dma_start3A_61] : memref<16384x32xf32, #tpu.memory_space<hbm>> -> memref<512x32xf32, #tpu.memory_space<hbm>>
      tpu.enqueue_dma source(%dma_start3A_62 : memref<512x32xf32, #tpu.memory_space<hbm>>) target(%dma_start3A_60 : memref<512x32xf32, #tpu.memory_space<vmem_shared>>) target_semaphore(%run_scoped3A : memref<!tpu.dma_semaphore, #tpu.memory_space<semaphore_mem>>)
      %dma_wait3A_63 = arith.constant 0 : i32
      %dma_wait3A_64 = tpu.memref_slice %arg18[%mul3A_4, %dma_wait3A_63] : memref<8192x32xf32, #tpu.memory_space<vmem_shared>> -> memref<512x32xf32, #tpu.memory_space<vmem_shared>>
      %dma_wait3A_65 = arith.constant 0 : i32
      %dma_wait3A_66 = tpu.memref_slice %arg3[%add3A_7, %dma_wait3A_65] : memref<16384x32xf32, #tpu.memory_space<hbm>> -> memref<512x32xf32, #tpu.memory_space<hbm>>
      tpu.wait_dma2 semaphore(%run_scoped3A : memref<!tpu.dma_semaphore, #tpu.memory_space<semaphore_mem>>) src(%dma_wait3A_66 : memref<512x32xf32, #tpu.memory_space<hbm>>) dst(%dma_wait3A_64 : memref<512x32xf32, #tpu.memory_space<vmem_shared>>)
      tpu.yield
    }) : () -> ()
    %barrier3A = arith.constant 0 : index
    tpu.barrier barrier_id(%barrier3A)
    %jit3A = arith.constant 8 : i32
    %div3A = arith.divsi %arg1, %jit3A : i32
    %sign3A = arith.constant 0 : i32
    %sign3A_8 = arith.cmpi sgt, %arg1, %sign3A : i32
    %sign3A_9 = arith.extui %sign3A_8 : i1 to i32
    %sign3A_10 = arith.constant 0 : i32
    %sign3A_11 = arith.cmpi slt, %arg1, %sign3A_10 : i32
    %sign3A_12 = arith.extui %sign3A_11 : i1 to i32
    %sign3A_13 = arith.subi %sign3A_9, %sign3A_12 : i32
    %sign3A_14 = arith.constant 0 : i32
    %sign3A_15 = arith.cmpi sgt, %jit3A, %sign3A_14 : i32
    %sign3A_16 = arith.extui %sign3A_15 : i1 to i32
    %sign3A_17 = arith.constant 0 : i32
    %sign3A_18 = arith.cmpi slt, %jit3A, %sign3A_17 : i32
    %sign3A_19 = arith.extui %sign3A_18 : i1 to i32
    %sign3A_20 = arith.subi %sign3A_16, %sign3A_19 : i32
    %ne3A = arith.cmpi ne, %sign3A_13, %sign3A_20 : i32
    %rem3A = arith.remsi %arg1, %jit3A : i32
    %ne3A_21 = arith.constant 0 : i32
    %ne3A_22 = arith.cmpi ne, %rem3A, %ne3A_21 : i32
    %and3A = arith.andi %ne3A, %ne3A_22 : i1
    %sub3A = arith.constant 1 : i32
    %sub3A_23 = arith.subi %div3A, %sub3A : i32
    %select_n3A = arith.select %and3A, %sub3A_23, %div3A : i32
    %mul3A_24 = arith.constant 4096 : i32
    %mul3A_25 = arith.muli %select_n3A, %mul3A_24 : i32
    %iota3A = tpu.iota {dimensions = array<i32: 0>} : vector<16xi32>
    %mul3A_26 = arith.constant 257 : i32
    %mul3A_27 = vector.broadcast %mul3A_26 : i32 to vector<16xi32>
    %mul3A_28 = arith.muli %iota3A, %mul3A_27 : vector<16xi32>
    %add3A_29 = arith.constant 0 : i32
    %add3A_30 = arith.addi %mul3A_2, %add3A_29 : i32
    %dma_start3A = tpu.memref_slice %arg4[%add3A_30] : memref<1048576xi32, #tpu.memory_space<hbm>> -> memref<256xi32, #tpu.memory_space<hbm>>
    %dma_start3A_31 = tpu.memref_slice %arg4[%add3A_30] : memref<1048576xi32, #tpu.memory_space<hbm>> -> memref<256xi32, #tpu.memory_space<hbm>>
    tpu.enqueue_dma source(%dma_start3A_31 : memref<256xi32, #tpu.memory_space<hbm>>) target(%arg7 : memref<256xi32, #tpu.memory_space<vmem>>) target_semaphore(%arg21 : memref<!tpu.dma_semaphore, #tpu.memory_space<semaphore_mem>>)
    %dma_start3A_32 = tpu.memref_slice %arg5[%add3A_30] : memref<1048576xi32, #tpu.memory_space<hbm>> -> memref<256xi32, #tpu.memory_space<hbm>>
    %dma_start3A_33 = tpu.memref_slice %arg5[%add3A_30] : memref<1048576xi32, #tpu.memory_space<hbm>> -> memref<256xi32, #tpu.memory_space<hbm>>
    tpu.enqueue_dma source(%dma_start3A_33 : memref<256xi32, #tpu.memory_space<hbm>>) target(%arg8 : memref<256xi32, #tpu.memory_space<vmem>>) target_semaphore(%arg21 : memref<!tpu.dma_semaphore, #tpu.memory_space<semaphore_mem>>)
    %add3A_34 = arith.constant 0 : i32
    %add3A_35 = arith.addi %mul3A_2, %add3A_34 : i32
    %dma_wait3A = tpu.memref_slice %arg4[%add3A_35] : memref<1048576xi32, #tpu.memory_space<hbm>> -> memref<256xi32, #tpu.memory_space<hbm>>
    %dma_wait3A_36 = tpu.memref_slice %arg4[%add3A_35] : memref<1048576xi32, #tpu.memory_space<hbm>> -> memref<256xi32, #tpu.memory_space<hbm>>
    tpu.wait_dma2 semaphore(%arg21 : memref<!tpu.dma_semaphore, #tpu.memory_space<semaphore_mem>>) src(%dma_wait3A_36 : memref<256xi32, #tpu.memory_space<hbm>>) dst(%arg7 : memref<256xi32, #tpu.memory_space<vmem>>)
    %dma_wait3A_37 = tpu.memref_slice %arg5[%add3A_35] : memref<1048576xi32, #tpu.memory_space<hbm>> -> memref<256xi32, #tpu.memory_space<hbm>>
    %dma_wait3A_38 = tpu.memref_slice %arg5[%add3A_35] : memref<1048576xi32, #tpu.memory_space<hbm>> -> memref<256xi32, #tpu.memory_space<hbm>>
    tpu.wait_dma2 semaphore(%arg21 : memref<!tpu.dma_semaphore, #tpu.memory_space<semaphore_mem>>) src(%dma_wait3A_38 : memref<256xi32, #tpu.memory_space<hbm>>) dst(%arg8 : memref<256xi32, #tpu.memory_space<vmem>>)
    %parallel_loop3A = arith.constant 0 : i32
    %parallel_loop3A_39 = arith.constant 16 : i32
    %parallel_loop3A_40 = arith.constant 1 : i32
    scf.for %parallel_loop3A_59 = %parallel_loop3A to %parallel_loop3A_39 step %parallel_loop3A_40  : i32 {
      %parallel_loop3A_60 = arith.constant 16 : i32
      %parallel_loop3A_61 = arith.muli %parallel_loop3A_59, %parallel_loop3A_60 : i32
      %parallel_loop3A_62 = arith.index_cast %parallel_loop3A_61 : i32 to index
      %parallel_loop3A_63 = tpu.vector_load %arg7[%parallel_loop3A_62] {strides = array<i32>} : memref<256xi32, #tpu.memory_space<vmem>>, vector<16xi32>,
      %parallel_loop3A_64 = vector.broadcast %mul3A_25 : i32 to vector<16xi32>
      %parallel_loop3A_65 = arith.addi %parallel_loop3A_63, %parallel_loop3A_64 : vector<16xi32>
      %parallel_loop3A_66 = arith.index_cast %parallel_loop3A_61 : i32 to index
      %parallel_loop3A_67 = tpu.vector_load %arg7[%parallel_loop3A_66] {strides = array<i32>} : memref<256xi32, #tpu.memory_space<vmem>>, vector<16xi32>,
      tpu.vector_store %arg7[%parallel_loop3A_66], %parallel_loop3A_65 {strides = array<i32>} : memref<256xi32, #tpu.memory_space<vmem>>, vector<16xi32>,
      %parallel_loop3A_68 = arith.index_cast %parallel_loop3A_61 : i32 to index
      %parallel_loop3A_69 = tpu.vector_load %arg8[%parallel_loop3A_68] {strides = array<i32>} : memref<256xi32, #tpu.memory_space<vmem>>, vector<16xi32>,
      %parallel_loop3A_70 = vector.broadcast %mul3A_25 : i32 to vector<16xi32>
      %parallel_loop3A_71 = arith.addi %parallel_loop3A_69, %parallel_loop3A_70 : vector<16xi32>
      %parallel_loop3A_72 = arith.index_cast %parallel_loop3A_61 : i32 to index
      %parallel_loop3A_73 = tpu.vector_load %arg8[%parallel_loop3A_72] {strides = array<i32>} : memref<256xi32, #tpu.memory_space<vmem>>, vector<16xi32>,
      tpu.vector_store %arg8[%parallel_loop3A_72], %parallel_loop3A_71 {strides = array<i32>} : memref<256xi32, #tpu.memory_space<vmem>>, vector<16xi32>,
    } {sc.loop_unroll_factor = 4 : i64, sc.parallel_access}
    %dma_start3A_41 = arith.constant 0 : i32
    %dma_start3A_42 = arith.constant 0 : i32
    %dma_start3A_43 = tpu.memref_slice %arg17[%dma_start3A_41, %dma_start3A_42] : memref<8192x32xf32, #tpu.memory_space<vmem_shared>> -> memref<8192x32xf32, #tpu.memory_space<vmem_shared>>
    tpu.enqueue_indirect_dma source(%dma_start3A_43 : memref<8192x32xf32, #tpu.memory_space<vmem_shared>>) target(%arg11 : memref<256x32xf32, #tpu.memory_space<vmem>>) offsets(%arg7 : memref<256xi32, #tpu.memory_space<vmem>>) semaphore(%arg19 : memref<!tpu.dma_semaphore, #tpu.memory_space<semaphore_mem>>)
    %dma_start3A_44 = arith.constant 0 : i32
    %dma_start3A_45 = arith.constant 0 : i32
    %dma_start3A_46 = tpu.memref_slice %arg18[%dma_start3A_44, %dma_start3A_45] : memref<8192x32xf32, #tpu.memory_space<vmem_shared>> -> memref<8192x32xf32, #tpu.memory_space<vmem_shared>>
    tpu.enqueue_indirect_dma source(%dma_start3A_46 : memref<8192x32xf32, #tpu.memory_space<vmem_shared>>) target(%arg12 : memref<256x32xf32, #tpu.memory_space<vmem>>) offsets(%arg8 : memref<256xi32, #tpu.memory_space<vmem>>) semaphore(%arg19 : memref<!tpu.dma_semaphore, #tpu.memory_space<semaphore_mem>>)
    %add3A_47 = arith.constant 256 : i32
    %add3A_48 = arith.addi %mul3A_2, %add3A_47 : i32
    %dma_start3A_49 = tpu.memref_slice %arg4[%add3A_48] : memref<1048576xi32, #tpu.memory_space<hbm>> -> memref<256xi32, #tpu.memory_space<hbm>>
    %dma_start3A_50 = tpu.memref_slice %arg4[%add3A_48] : memref<1048576xi32, #tpu.memory_space<hbm>> -> memref<256xi32, #tpu.memory_space<hbm>>
    tpu.enqueue_dma source(%dma_start3A_50 : memref<256xi32, #tpu.memory_space<hbm>>) target(%arg9 : memref<256xi32, #tpu.memory_space<vmem>>) target_semaphore(%arg22 : memref<!tpu.dma_semaphore, #tpu.memory_space<semaphore_mem>>)
    %dma_start3A_51 = tpu.memref_slice %arg5[%add3A_48] : memref<1048576xi32, #tpu.memory_space<hbm>> -> memref<256xi32, #tpu.memory_space<hbm>>
    %dma_start3A_52 = tpu.memref_slice %arg5[%add3A_48] : memref<1048576xi32, #tpu.memory_space<hbm>> -> memref<256xi32, #tpu.memory_space<hbm>>
    tpu.enqueue_dma source(%dma_start3A_52 : memref<256xi32, #tpu.memory_space<hbm>>) target(%arg10 : memref<256xi32, #tpu.memory_space<vmem>>) target_semaphore(%arg22 : memref<!tpu.dma_semaphore, #tpu.memory_space<semaphore_mem>>)
    %scan3A = arith.constant 0 : i32
    %scan3A_53 = arith.constant 0 : i32
    %scan3A_54 = arith.constant 64 : i32
    %scan3A_55 = arith.addi %scan3A_53, %scan3A_54 : i32
    %scan3A_56 = arith.constant 1 : i32
    %scan3A_57 = scf.for %scan3A_59 = %scan3A_53 to %scan3A_55 step %scan3A_56 iter_args(%scan3A_60 = %scan3A) -> (i32)  : i32 {
      %mul3A_61 = arith.constant 2 : i32
      %mul3A_62 = arith.muli %scan3A_59, %mul3A_61 : i32
      %add3A_63 = arith.constant 1 : i32
      %add3A_64 = arith.addi %mul3A_62, %add3A_63 : i32
      %mul3A_65 = arith.constant 256 : i32
      %mul3A_66 = arith.muli %add3A_64, %mul3A_65 : i32
      %add3A_67 = arith.addi %mul3A_2, %mul3A_66 : i32
      %dma_wait3A_68 = tpu.memref_slice %arg4[%add3A_67] : memref<1048576xi32, #tpu.memory_space<hbm>> -> memref<256xi32, #tpu.memory_space<hbm>>
      %dma_wait3A_69 = tpu.memref_slice %arg4[%add3A_67] : memref<1048576xi32, #tpu.memory_space<hbm>> -> memref<256xi32, #tpu.memory_space<hbm>>
      tpu.wait_dma2 semaphore(%arg22 : memref<!tpu.dma_semaphore, #tpu.memory_space<semaphore_mem>>) src(%dma_wait3A_69 : memref<256xi32, #tpu.memory_space<hbm>>) dst(%arg9 : memref<256xi32, #tpu.memory_space<vmem>>)
      %dma_wait3A_70 = tpu.memref_slice %arg5[%add3A_67] : memref<1048576xi32, #tpu.memory_space<hbm>> -> memref<256xi32, #tpu.memory_space<hbm>>
      %dma_wait3A_71 = tpu.memref_slice %arg5[%add3A_67] : memref<1048576xi32, #tpu.memory_space<hbm>> -> memref<256xi32, #tpu.memory_space<hbm>>
      tpu.wait_dma2 semaphore(%arg22 : memref<!tpu.dma_semaphore, #tpu.memory_space<semaphore_mem>>) src(%dma_wait3A_71 : memref<256xi32, #tpu.memory_space<hbm>>) dst(%arg10 : memref<256xi32, #tpu.memory_space<vmem>>)
      %parallel_loop3A_72 = arith.constant 0 : i32
      %parallel_loop3A_73 = arith.constant 16 : i32
      %parallel_loop3A_74 = arith.constant 1 : i32
      scf.for %parallel_loop3A_130 = %parallel_loop3A_72 to %parallel_loop3A_73 step %parallel_loop3A_74  : i32 {
        %parallel_loop3A_131 = arith.constant 16 : i32
        %parallel_loop3A_132 = arith.muli %parallel_loop3A_130, %parallel_loop3A_131 : i32
        %parallel_loop3A_133 = arith.index_cast %parallel_loop3A_132 : i32 to index
        %parallel_loop3A_134 = tpu.vector_load %arg9[%parallel_loop3A_133] {strides = array<i32>} : memref<256xi32, #tpu.memory_space<vmem>>, vector<16xi32>,
        %parallel_loop3A_135 = vector.broadcast %mul3A_25 : i32 to vector<16xi32>
        %parallel_loop3A_136 = arith.addi %parallel_loop3A_134, %parallel_loop3A_135 : vector<16xi32>
        %parallel_loop3A_137 = arith.index_cast %parallel_loop3A_132 : i32 to index
        %parallel_loop3A_138 = tpu.vector_load %arg9[%parallel_loop3A_137] {strides = array<i32>} : memref<256xi32, #tpu.memory_space<vmem>>, vector<16xi32>,
        tpu.vector_store %arg9[%parallel_loop3A_137], %parallel_loop3A_136 {strides = array<i32>} : memref<256xi32, #tpu.memory_space<vmem>>, vector<16xi32>,
        %parallel_loop3A_139 = arith.index_cast %parallel_loop3A_132 : i32 to index
        %parallel_loop3A_140 = tpu.vector_load %arg10[%parallel_loop3A_139] {strides = array<i32>} : memref<256xi32, #tpu.memory_space<vmem>>, vector<16xi32>,
        %parallel_loop3A_141 = vector.broadcast %mul3A_25 : i32 to vector<16xi32>
        %parallel_loop3A_142 = arith.addi %parallel_loop3A_140, %parallel_loop3A_141 : vector<16xi32>
        %parallel_loop3A_143 = arith.index_cast %parallel_loop3A_132 : i32 to index
        %parallel_loop3A_144 = tpu.vector_load %arg10[%parallel_loop3A_143] {strides = array<i32>} : memref<256xi32, #tpu.memory_space<vmem>>, vector<16xi32>,
        tpu.vector_store %arg10[%parallel_loop3A_143], %parallel_loop3A_142 {strides = array<i32>} : memref<256xi32, #tpu.memory_space<vmem>>, vector<16xi32>,
      } {sc.loop_unroll_factor = 4 : i64, sc.parallel_access}
      %dma_start3A_75 = arith.constant 0 : i32
      %dma_start3A_76 = arith.constant 0 : i32
      %dma_start3A_77 = tpu.memref_slice %arg17[%dma_start3A_75, %dma_start3A_76] : memref<8192x32xf32, #tpu.memory_space<vmem_shared>> -> memref<8192x32xf32, #tpu.memory_space<vmem_shared>>
      tpu.enqueue_indirect_dma source(%dma_start3A_77 : memref<8192x32xf32, #tpu.memory_space<vmem_shared>>) target(%arg13 : memref<256x32xf32, #tpu.memory_space<vmem>>) offsets(%arg9 : memref<256xi32, #tpu.memory_space<vmem>>) semaphore(%arg20 : memref<!tpu.dma_semaphore, #tpu.memory_space<semaphore_mem>>)
      %dma_start3A_78 = arith.constant 0 : i32
      %dma_start3A_79 = arith.constant 0 : i32
      %dma_start3A_80 = tpu.memref_slice %arg18[%dma_start3A_78, %dma_start3A_79] : memref<8192x32xf32, #tpu.memory_space<vmem_shared>> -> memref<8192x32xf32, #tpu.memory_space<vmem_shared>>
      tpu.enqueue_indirect_dma source(%dma_start3A_80 : memref<8192x32xf32, #tpu.memory_space<vmem_shared>>) target(%arg14 : memref<256x32xf32, #tpu.memory_space<vmem>>) offsets(%arg10 : memref<256xi32, #tpu.memory_space<vmem>>) semaphore(%arg20 : memref<!tpu.dma_semaphore, #tpu.memory_space<semaphore_mem>>)
      %dma_wait3A_81 = arith.constant 0 : i32
      %dma_wait3A_82 = arith.constant 0 : i32
      %dma_wait3A_83 = tpu.memref_slice %arg17[%dma_wait3A_81, %dma_wait3A_82] : memref<8192x32xf32, #tpu.memory_space<vmem_shared>> -> memref<8192x32xf32, #tpu.memory_space<vmem_shared>>
      tpu.wait_indirect_dma semaphore(%arg19 : memref<!tpu.dma_semaphore, #tpu.memory_space<semaphore_mem>>) src(%dma_wait3A_83 : memref<8192x32xf32, #tpu.memory_space<vmem_shared>>) dst(%arg11 : memref<256x32xf32, #tpu.memory_space<vmem>>)
      %dma_wait3A_84 = arith.constant 0 : i32
      %dma_wait3A_85 = arith.constant 0 : i32
      %dma_wait3A_86 = tpu.memref_slice %arg18[%dma_wait3A_84, %dma_wait3A_85] : memref<8192x32xf32, #tpu.memory_space<vmem_shared>> -> memref<8192x32xf32, #tpu.memory_space<vmem_shared>>
      tpu.wait_indirect_dma semaphore(%arg19 : memref<!tpu.dma_semaphore, #tpu.memory_space<semaphore_mem>>) src(%dma_wait3A_86 : memref<8192x32xf32, #tpu.memory_space<vmem_shared>>) dst(%arg12 : memref<256x32xf32, #tpu.memory_space<vmem>>)
      %add3A_87 = arith.constant 2 : i32
      %add3A_88 = arith.addi %mul3A_62, %add3A_87 : i32
      %lt3A = arith.constant 128 : i32
      %lt3A_89 = arith.cmpi slt, %add3A_88, %lt3A : i32
      %convert_element_type3A = arith.extui %lt3A_89 : i1 to i32
      %cond3A = arith.constant 0 : i32
      %cond3A_90 = arith.cmpi ne, %convert_element_type3A, %cond3A : i32
      scf.if %cond3A_90 {
        %add3A_130 = arith.constant 2 : i32
        %add3A_131 = arith.addi %mul3A_62, %add3A_130 : i32
        %mul3A_132 = arith.constant 256 : i32
        %mul3A_133 = arith.muli %add3A_131, %mul3A_132 : i32
        %add3A_134 = arith.addi %mul3A_2, %mul3A_133 : i32
        %dma_start3A_135 = tpu.memref_slice %arg4[%add3A_134] : memref<1048576xi32, #tpu.memory_space<hbm>> -> memref<256xi32, #tpu.memory_space<hbm>>
        %dma_start3A_136 = tpu.memref_slice %arg4[%add3A_134] : memref<1048576xi32, #tpu.memory_space<hbm>> -> memref<256xi32, #tpu.memory_space<hbm>>
        tpu.enqueue_dma source(%dma_start3A_136 : memref<256xi32, #tpu.memory_space<hbm>>) target(%arg7 : memref<256xi32, #tpu.memory_space<vmem>>) target_semaphore(%arg21 : memref<!tpu.dma_semaphore, #tpu.memory_space<semaphore_mem>>)
        %dma_start3A_137 = tpu.memref_slice %arg5[%add3A_134] : memref<1048576xi32, #tpu.memory_space<hbm>> -> memref<256xi32, #tpu.memory_space<hbm>>
        %dma_start3A_138 = tpu.memref_slice %arg5[%add3A_134] : memref<1048576xi32, #tpu.memory_space<hbm>> -> memref<256xi32, #tpu.memory_space<hbm>>
        tpu.enqueue_dma source(%dma_start3A_138 : memref<256xi32, #tpu.memory_space<hbm>>) target(%arg8 : memref<256xi32, #tpu.memory_space<vmem>>) target_semaphore(%arg21 : memref<!tpu.dma_semaphore, #tpu.memory_space<semaphore_mem>>)
      } else {
      }
      %parallel_loop3A_91 = arith.constant 0 : i32
      %parallel_loop3A_92 = arith.constant 256 : i32
      %parallel_loop3A_93 = arith.constant 1 : i32
      scf.for %parallel_loop3A_130 = %parallel_loop3A_91 to %parallel_loop3A_92 step %parallel_loop3A_93  : i32 {
        %parallel_loop3A_131 = arith.index_cast %parallel_loop3A_130 : i32 to index
        %parallel_loop3A_132 = arith.constant 0 : index
        %parallel_loop3A_133 = tpu.vector_load %arg11[%parallel_loop3A_131, %parallel_loop3A_132] {strides = array<i32>} : memref<256x32xf32, #tpu.memory_space<vmem>>, vector<16xf32>,
        %parallel_loop3A_134 = arith.index_cast %parallel_loop3A_130 : i32 to index
        %parallel_loop3A_135 = arith.constant 0 : index
        %parallel_loop3A_136 = tpu.vector_load %arg12[%parallel_loop3A_134, %parallel_loop3A_135] {strides = array<i32>} : memref<256x32xf32, #tpu.memory_space<vmem>>, vector<16xf32>,
        %parallel_loop3A_137 = arith.index_cast %parallel_loop3A_130 : i32 to index
        %parallel_loop3A_138 = arith.constant 16 : index
        %parallel_loop3A_139 = tpu.vector_load %arg11[%parallel_loop3A_137, %parallel_loop3A_138] {strides = array<i32>} : memref<256x32xf32, #tpu.memory_space<vmem>>, vector<16xf32>,
        %parallel_loop3A_140 = arith.index_cast %parallel_loop3A_130 : i32 to index
        %parallel_loop3A_141 = arith.constant 16 : index
        %parallel_loop3A_142 = tpu.vector_load %arg12[%parallel_loop3A_140, %parallel_loop3A_141] {strides = array<i32>} : memref<256x32xf32, #tpu.memory_space<vmem>>, vector<16xf32>,
        %parallel_loop3A_143 = arith.mulf %parallel_loop3A_133, %parallel_loop3A_136 : vector<16xf32>
        %parallel_loop3A_144 = arith.mulf %parallel_loop3A_139, %parallel_loop3A_142 : vector<16xf32>
        %parallel_loop3A_145 = arith.addf %parallel_loop3A_143, %parallel_loop3A_144 : vector<16xf32>
        %parallel_loop3A_146 = vector.broadcast %parallel_loop3A_130 : i32 to vector<16xi32>
        %parallel_loop3A_147 = arith.addi %mul3A_28, %parallel_loop3A_146 : vector<16xi32>
        tpu.vector_store_idx %arg15[%parallel_loop3A_147], %parallel_loop3A_145 : memref<4112xf32, #tpu.memory_space<vmem>>[vector<16xi32>], vector<16xf32>,
      } {sc.loop_unroll_factor = 16 : i64, sc.parallel_access}
      %mul3A_94 = arith.constant 256 : i32
      %mul3A_95 = arith.muli %mul3A_62, %mul3A_94 : i32
      %parallel_loop3A_96 = arith.constant 0 : i32
      %parallel_loop3A_97 = arith.constant 16 : i32
      %parallel_loop3A_98 = arith.constant 1 : i32
      scf.for %parallel_loop3A_130 = %parallel_loop3A_96 to %parallel_loop3A_97 step %parallel_loop3A_98  : i32 {
        %parallel_loop3A_131 = arith.constant 16 : i32
        %parallel_loop3A_132 = arith.muli %parallel_loop3A_130, %parallel_loop3A_131 : i32
        %parallel_loop3A_133 = arith.constant 0 : i32
        %parallel_loop3A_134 = arith.addi %parallel_loop3A_133, %parallel_loop3A_132 : i32
        %parallel_loop3A_135 = arith.index_cast %parallel_loop3A_134 : i32 to index
        %parallel_loop3A_136 = tpu.vector_load %arg15[%parallel_loop3A_135] {strides = array<i32>} : memref<4112xf32, #tpu.memory_space<vmem>>, vector<16xf32>,
        %parallel_loop3A_137 = arith.constant 16 : i32
        %parallel_loop3A_138 = arith.muli %parallel_loop3A_130, %parallel_loop3A_137 : i32
        %parallel_loop3A_139 = arith.constant 257 : i32
        %parallel_loop3A_140 = arith.addi %parallel_loop3A_139, %parallel_loop3A_138 : i32
        %parallel_loop3A_141 = arith.index_cast %parallel_loop3A_140 : i32 to index
        %parallel_loop3A_142 = tpu.vector_load %arg15[%parallel_loop3A_141] {strides = array<i32>} : memref<4112xf32, #tpu.memory_space<vmem>>, vector<16xf32>,
        %parallel_loop3A_143 = arith.constant 16 : i32
        %parallel_loop3A_144 = arith.muli %parallel_loop3A_130, %parallel_loop3A_143 : i32
        %parallel_loop3A_145 = arith.constant 514 : i32
        %parallel_loop3A_146 = arith.addi %parallel_loop3A_145, %parallel_loop3A_144 : i32
        %parallel_loop3A_147 = arith.index_cast %parallel_loop3A_146 : i32 to index
        %parallel_loop3A_148 = tpu.vector_load %arg15[%parallel_loop3A_147] {strides = array<i32>} : memref<4112xf32, #tpu.memory_space<vmem>>, vector<16xf32>,
        %parallel_loop3A_149 = arith.constant 16 : i32
        %parallel_loop3A_150 = arith.muli %parallel_loop3A_130, %parallel_loop3A_149 : i32
        %parallel_loop3A_151 = arith.constant 771 : i32
        %parallel_loop3A_152 = arith.addi %parallel_loop3A_151, %parallel_loop3A_150 : i32
        %parallel_loop3A_153 = arith.index_cast %parallel_loop3A_152 : i32 to index
        %parallel_loop3A_154 = tpu.vector_load %arg15[%parallel_loop3A_153] {strides = array<i32>} : memref<4112xf32, #tpu.memory_space<vmem>>, vector<16xf32>,
        %parallel_loop3A_155 = arith.constant 16 : i32
        %parallel_loop3A_156 = arith.muli %parallel_loop3A_130, %parallel_loop3A_155 : i32
        %parallel_loop3A_157 = arith.constant 1028 : i32
        %parallel_loop3A_158 = arith.addi %parallel_loop3A_157, %parallel_loop3A_156 : i32
        %parallel_loop3A_159 = arith.index_cast %parallel_loop3A_158 : i32 to index
        %parallel_loop3A_160 = tpu.vector_load %arg15[%parallel_loop3A_159] {strides = array<i32>} : memref<4112xf32, #tpu.memory_space<vmem>>, vector<16xf32>,
        %parallel_loop3A_161 = arith.constant 16 : i32
        %parallel_loop3A_162 = arith.muli %parallel_loop3A_130, %parallel_loop3A_161 : i32
        %parallel_loop3A_163 = arith.constant 1285 : i32
        %parallel_loop3A_164 = arith.addi %parallel_loop3A_163, %parallel_loop3A_162 : i32
        %parallel_loop3A_165 = arith.index_cast %parallel_loop3A_164 : i32 to index
        %parallel_loop3A_166 = tpu.vector_load %arg15[%parallel_loop3A_165] {strides = array<i32>} : memref<4112xf32, #tpu.memory_space<vmem>>, vector<16xf32>,
        %parallel_loop3A_167 = arith.constant 16 : i32
        %parallel_loop3A_168 = arith.muli %parallel_loop3A_130, %parallel_loop3A_167 : i32
        %parallel_loop3A_169 = arith.constant 1542 : i32
        %parallel_loop3A_170 = arith.addi %parallel_loop3A_169, %parallel_loop3A_168 : i32
        %parallel_loop3A_171 = arith.index_cast %parallel_loop3A_170 : i32 to index
        %parallel_loop3A_172 = tpu.vector_load %arg15[%parallel_loop3A_171] {strides = array<i32>} : memref<4112xf32, #tpu.memory_space<vmem>>, vector<16xf32>,
        %parallel_loop3A_173 = arith.constant 16 : i32
        %parallel_loop3A_174 = arith.muli %parallel_loop3A_130, %parallel_loop3A_173 : i32
        %parallel_loop3A_175 = arith.constant 1799 : i32
        %parallel_loop3A_176 = arith.addi %parallel_loop3A_175, %parallel_loop3A_174 : i32
        %parallel_loop3A_177 = arith.index_cast %parallel_loop3A_176 : i32 to index
        %parallel_loop3A_178 = tpu.vector_load %arg15[%parallel_loop3A_177] {strides = array<i32>} : memref<4112xf32, #tpu.memory_space<vmem>>, vector<16xf32>,
        %parallel_loop3A_179 = arith.constant 16 : i32
        %parallel_loop3A_180 = arith.muli %parallel_loop3A_130, %parallel_loop3A_179 : i32
        %parallel_loop3A_181 = arith.constant 2056 : i32
        %parallel_loop3A_182 = arith.addi %parallel_loop3A_181, %parallel_loop3A_180 : i32
        %parallel_loop3A_183 = arith.index_cast %parallel_loop3A_182 : i32 to index
        %parallel_loop3A_184 = tpu.vector_load %arg15[%parallel_loop3A_183] {strides = array<i32>} : memref<4112xf32, #tpu.memory_space<vmem>>, vector<16xf32>,
        %parallel_loop3A_185 = arith.constant 16 : i32
        %parallel_loop3A_186 = arith.muli %parallel_loop3A_130, %parallel_loop3A_185 : i32
        %parallel_loop3A_187 = arith.constant 2313 : i32
        %parallel_loop3A_188 = arith.addi %parallel_loop3A_187, %parallel_loop3A_186 : i32
        %parallel_loop3A_189 = arith.index_cast %parallel_loop3A_188 : i32 to index
        %parallel_loop3A_190 = tpu.vector_load %arg15[%parallel_loop3A_189] {strides = array<i32>} : memref<4112xf32, #tpu.memory_space<vmem>>, vector<16xf32>,
        %parallel_loop3A_191 = arith.constant 16 : i32
        %parallel_loop3A_192 = arith.muli %parallel_loop3A_130, %parallel_loop3A_191 : i32
        %parallel_loop3A_193 = arith.constant 2570 : i32
        %parallel_loop3A_194 = arith.addi %parallel_loop3A_193, %parallel_loop3A_192 : i32
        %parallel_loop3A_195 = arith.index_cast %parallel_loop3A_194 : i32 to index
        %parallel_loop3A_196 = tpu.vector_load %arg15[%parallel_loop3A_195] {strides = array<i32>} : memref<4112xf32, #tpu.memory_space<vmem>>, vector<16xf32>,
        %parallel_loop3A_197 = arith.constant 16 : i32
        %parallel_loop3A_198 = arith.muli %parallel_loop3A_130, %parallel_loop3A_197 : i32
        %parallel_loop3A_199 = arith.constant 2827 : i32
        %parallel_loop3A_200 = arith.addi %parallel_loop3A_199, %parallel_loop3A_198 : i32
        %parallel_loop3A_201 = arith.index_cast %parallel_loop3A_200 : i32 to index
        %parallel_loop3A_202 = tpu.vector_load %arg15[%parallel_loop3A_201] {strides = array<i32>} : memref<4112xf32, #tpu.memory_space<vmem>>, vector<16xf32>,
        %parallel_loop3A_203 = arith.constant 16 : i32
        %parallel_loop3A_204 = arith.muli %parallel_loop3A_130, %parallel_loop3A_203 : i32
        %parallel_loop3A_205 = arith.constant 3084 : i32
        %parallel_loop3A_206 = arith.addi %parallel_loop3A_205, %parallel_loop3A_204 : i32
        %parallel_loop3A_207 = arith.index_cast %parallel_loop3A_206 : i32 to index
        %parallel_loop3A_208 = tpu.vector_load %arg15[%parallel_loop3A_207] {strides = array<i32>} : memref<4112xf32, #tpu.memory_space<vmem>>, vector<16xf32>,
        %parallel_loop3A_209 = arith.constant 16 : i32
        %parallel_loop3A_210 = arith.muli %parallel_loop3A_130, %parallel_loop3A_209 : i32
        %parallel_loop3A_211 = arith.constant 3341 : i32
        %parallel_loop3A_212 = arith.addi %parallel_loop3A_211, %parallel_loop3A_210 : i32
        %parallel_loop3A_213 = arith.index_cast %parallel_loop3A_212 : i32 to index
        %parallel_loop3A_214 = tpu.vector_load %arg15[%parallel_loop3A_213] {strides = array<i32>} : memref<4112xf32, #tpu.memory_space<vmem>>, vector<16xf32>,
        %parallel_loop3A_215 = arith.constant 16 : i32
        %parallel_loop3A_216 = arith.muli %parallel_loop3A_130, %parallel_loop3A_215 : i32
        %parallel_loop3A_217 = arith.constant 3598 : i32
        %parallel_loop3A_218 = arith.addi %parallel_loop3A_217, %parallel_loop3A_216 : i32
        %parallel_loop3A_219 = arith.index_cast %parallel_loop3A_218 : i32 to index
        %parallel_loop3A_220 = tpu.vector_load %arg15[%parallel_loop3A_219] {strides = array<i32>} : memref<4112xf32, #tpu.memory_space<vmem>>, vector<16xf32>,
        %parallel_loop3A_221 = arith.constant 16 : i32
        %parallel_loop3A_222 = arith.muli %parallel_loop3A_130, %parallel_loop3A_221 : i32
        %parallel_loop3A_223 = arith.constant 3855 : i32
        %parallel_loop3A_224 = arith.addi %parallel_loop3A_223, %parallel_loop3A_222 : i32
        %parallel_loop3A_225 = arith.index_cast %parallel_loop3A_224 : i32 to index
        %parallel_loop3A_226 = tpu.vector_load %arg15[%parallel_loop3A_225] {strides = array<i32>} : memref<4112xf32, #tpu.memory_space<vmem>>, vector<16xf32>,
        %parallel_loop3A_227 = arith.addf %parallel_loop3A_136, %parallel_loop3A_142 : vector<16xf32>
        %parallel_loop3A_228 = arith.addf %parallel_loop3A_148, %parallel_loop3A_154 : vector<16xf32>
        %parallel_loop3A_229 = arith.addf %parallel_loop3A_160, %parallel_loop3A_166 : vector<16xf32>
        %parallel_loop3A_230 = arith.addf %parallel_loop3A_172, %parallel_loop3A_178 : vector<16xf32>
        %parallel_loop3A_231 = arith.addf %parallel_loop3A_184, %parallel_loop3A_190 : vector<16xf32>
        %parallel_loop3A_232 = arith.addf %parallel_loop3A_196, %parallel_loop3A_202 : vector<16xf32>
        %parallel_loop3A_233 = arith.addf %parallel_loop3A_208, %parallel_loop3A_214 : vector<16xf32>
        %parallel_loop3A_234 = arith.addf %parallel_loop3A_220, %parallel_loop3A_226 : vector<16xf32>
        %parallel_loop3A_235 = arith.addf %parallel_loop3A_227, %parallel_loop3A_228 : vector<16xf32>
        %parallel_loop3A_236 = arith.addf %parallel_loop3A_229, %parallel_loop3A_230 : vector<16xf32>
        %parallel_loop3A_237 = arith.addf %parallel_loop3A_231, %parallel_loop3A_232 : vector<16xf32>
        %parallel_loop3A_238 = arith.addf %parallel_loop3A_233, %parallel_loop3A_234 : vector<16xf32>
        %parallel_loop3A_239 = arith.addf %parallel_loop3A_235, %parallel_loop3A_236 : vector<16xf32>
        %parallel_loop3A_240 = arith.addf %parallel_loop3A_237, %parallel_loop3A_238 : vector<16xf32>
        %parallel_loop3A_241 = arith.addf %parallel_loop3A_239, %parallel_loop3A_240 : vector<16xf32>
        %parallel_loop3A_242 = arith.constant 0.176776692 : f32
        %parallel_loop3A_243 = vector.broadcast %parallel_loop3A_242 : f32 to vector<16xf32>
        %parallel_loop3A_244 = arith.mulf %parallel_loop3A_241, %parallel_loop3A_243 : vector<16xf32>
        %parallel_loop3A_245 = arith.constant 16 : i32
        %parallel_loop3A_246 = arith.muli %parallel_loop3A_130, %parallel_loop3A_245 : i32
        %parallel_loop3A_247 = arith.addi %mul3A_95, %parallel_loop3A_246 : i32
        %parallel_loop3A_248 = arith.index_cast %parallel_loop3A_247 : i32 to index
        %parallel_loop3A_249 = tpu.vector_load %arg16[%parallel_loop3A_248] {strides = array<i32>} : memref<32768xf32, #tpu.memory_space<vmem>>, vector<16xf32>,
        tpu.vector_store %arg16[%parallel_loop3A_248], %parallel_loop3A_244 {strides = array<i32>} : memref<32768xf32, #tpu.memory_space<vmem>>, vector<16xf32>,
      } {sc.loop_unroll_factor = 4 : i64, sc.parallel_access}
      %add3A_99 = arith.constant 2 : i32
      %add3A_100 = arith.addi %mul3A_62, %add3A_99 : i32
      %lt3A_101 = arith.constant 128 : i32
      %lt3A_102 = arith.cmpi slt, %add3A_100, %lt3A_101 : i32
      %convert_element_type3A_103 = arith.extui %lt3A_102 : i1 to i32
      %cond3A_104 = arith.constant 0 : i32
      %cond3A_105 = arith.cmpi ne, %convert_element_type3A_103, %cond3A_104 : i32
      scf.if %cond3A_105 {
        %add3A_130 = arith.constant 2 : i32
        %add3A_131 = arith.addi %mul3A_62, %add3A_130 : i32
        %mul3A_132 = arith.constant 256 : i32
        %mul3A_133 = arith.muli %add3A_131, %mul3A_132 : i32
        %add3A_134 = arith.addi %mul3A_2, %mul3A_133 : i32
        %dma_wait3A_135 = tpu.memref_slice %arg4[%add3A_134] : memref<1048576xi32, #tpu.memory_space<hbm>> -> memref<256xi32, #tpu.memory_space<hbm>>
        %dma_wait3A_136 = tpu.memref_slice %arg4[%add3A_134] : memref<1048576xi32, #tpu.memory_space<hbm>> -> memref<256xi32, #tpu.memory_space<hbm>>
        tpu.wait_dma2 semaphore(%arg21 : memref<!tpu.dma_semaphore, #tpu.memory_space<semaphore_mem>>) src(%dma_wait3A_136 : memref<256xi32, #tpu.memory_space<hbm>>) dst(%arg7 : memref<256xi32, #tpu.memory_space<vmem>>)
        %dma_wait3A_137 = tpu.memref_slice %arg5[%add3A_134] : memref<1048576xi32, #tpu.memory_space<hbm>> -> memref<256xi32, #tpu.memory_space<hbm>>
        %dma_wait3A_138 = tpu.memref_slice %arg5[%add3A_134] : memref<1048576xi32, #tpu.memory_space<hbm>> -> memref<256xi32, #tpu.memory_space<hbm>>
        tpu.wait_dma2 semaphore(%arg21 : memref<!tpu.dma_semaphore, #tpu.memory_space<semaphore_mem>>) src(%dma_wait3A_138 : memref<256xi32, #tpu.memory_space<hbm>>) dst(%arg8 : memref<256xi32, #tpu.memory_space<vmem>>)
        %parallel_loop3A_139 = arith.constant 0 : i32
        %parallel_loop3A_140 = arith.constant 16 : i32
        %parallel_loop3A_141 = arith.constant 1 : i32
        scf.for %parallel_loop3A_148 = %parallel_loop3A_139 to %parallel_loop3A_140 step %parallel_loop3A_141  : i32 {
          %parallel_loop3A_149 = arith.constant 16 : i32
          %parallel_loop3A_150 = arith.muli %parallel_loop3A_148, %parallel_loop3A_149 : i32
          %parallel_loop3A_151 = arith.index_cast %parallel_loop3A_150 : i32 to index
          %parallel_loop3A_152 = tpu.vector_load %arg7[%parallel_loop3A_151] {strides = array<i32>} : memref<256xi32, #tpu.memory_space<vmem>>, vector<16xi32>,
          %parallel_loop3A_153 = vector.broadcast %mul3A_25 : i32 to vector<16xi32>
          %parallel_loop3A_154 = arith.addi %parallel_loop3A_152, %parallel_loop3A_153 : vector<16xi32>
          %parallel_loop3A_155 = arith.index_cast %parallel_loop3A_150 : i32 to index
          %parallel_loop3A_156 = tpu.vector_load %arg7[%parallel_loop3A_155] {strides = array<i32>} : memref<256xi32, #tpu.memory_space<vmem>>, vector<16xi32>,
          tpu.vector_store %arg7[%parallel_loop3A_155], %parallel_loop3A_154 {strides = array<i32>} : memref<256xi32, #tpu.memory_space<vmem>>, vector<16xi32>,
          %parallel_loop3A_157 = arith.index_cast %parallel_loop3A_150 : i32 to index
          %parallel_loop3A_158 = tpu.vector_load %arg8[%parallel_loop3A_157] {strides = array<i32>} : memref<256xi32, #tpu.memory_space<vmem>>, vector<16xi32>,
          %parallel_loop3A_159 = vector.broadcast %mul3A_25 : i32 to vector<16xi32>
          %parallel_loop3A_160 = arith.addi %parallel_loop3A_158, %parallel_loop3A_159 : vector<16xi32>
          %parallel_loop3A_161 = arith.index_cast %parallel_loop3A_150 : i32 to index
          %parallel_loop3A_162 = tpu.vector_load %arg8[%parallel_loop3A_161] {strides = array<i32>} : memref<256xi32, #tpu.memory_space<vmem>>, vector<16xi32>,
          tpu.vector_store %arg8[%parallel_loop3A_161], %parallel_loop3A_160 {strides = array<i32>} : memref<256xi32, #tpu.memory_space<vmem>>, vector<16xi32>,
        } {sc.loop_unroll_factor = 4 : i64, sc.parallel_access}
        %dma_start3A_142 = arith.constant 0 : i32
        %dma_start3A_143 = arith.constant 0 : i32
        %dma_start3A_144 = tpu.memref_slice %arg17[%dma_start3A_142, %dma_start3A_143] : memref<8192x32xf32, #tpu.memory_space<vmem_shared>> -> memref<8192x32xf32, #tpu.memory_space<vmem_shared>>
        tpu.enqueue_indirect_dma source(%dma_start3A_144 : memref<8192x32xf32, #tpu.memory_space<vmem_shared>>) target(%arg11 : memref<256x32xf32, #tpu.memory_space<vmem>>) offsets(%arg7 : memref<256xi32, #tpu.memory_space<vmem>>) semaphore(%arg19 : memref<!tpu.dma_semaphore, #tpu.memory_space<semaphore_mem>>)
        %dma_start3A_145 = arith.constant 0 : i32
        %dma_start3A_146 = arith.constant 0 : i32
        %dma_start3A_147 = tpu.memref_slice %arg18[%dma_start3A_145, %dma_start3A_146] : memref<8192x32xf32, #tpu.memory_space<vmem_shared>> -> memref<8192x32xf32, #tpu.memory_space<vmem_shared>>
        tpu.enqueue_indirect_dma source(%dma_start3A_147 : memref<8192x32xf32, #tpu.memory_space<vmem_shared>>) target(%arg12 : memref<256x32xf32, #tpu.memory_space<vmem>>) offsets(%arg8 : memref<256xi32, #tpu.memory_space<vmem>>) semaphore(%arg19 : memref<!tpu.dma_semaphore, #tpu.memory_space<semaphore_mem>>)
      } else {
      }
      %add3A_106 = arith.constant 1 : i32
      %add3A_107 = arith.addi %mul3A_62, %add3A_106 : i32
      %dma_wait3A_108 = arith.constant 0 : i32
      %dma_wait3A_109 = arith.constant 0 : i32
      %dma_wait3A_110 = tpu.memref_slice %arg17[%dma_wait3A_108, %dma_wait3A_109] : memref<8192x32xf32, #tpu.memory_space<vmem_shared>> -> memref<8192x32xf32, #tpu.memory_space<vmem_shared>>
      tpu.wait_indirect_dma semaphore(%arg20 : memref<!tpu.dma_semaphore, #tpu.memory_space<semaphore_mem>>) src(%dma_wait3A_110 : memref<8192x32xf32, #tpu.memory_space<vmem_shared>>) dst(%arg13 : memref<256x32xf32, #tpu.memory_space<vmem>>)
      %dma_wait3A_111 = arith.constant 0 : i32
      %dma_wait3A_112 = arith.constant 0 : i32
      %dma_wait3A_113 = tpu.memref_slice %arg18[%dma_wait3A_111, %dma_wait3A_112] : memref<8192x32xf32, #tpu.memory_space<vmem_shared>> -> memref<8192x32xf32, #tpu.memory_space<vmem_shared>>
      tpu.wait_indirect_dma semaphore(%arg20 : memref<!tpu.dma_semaphore, #tpu.memory_space<semaphore_mem>>) src(%dma_wait3A_113 : memref<8192x32xf32, #tpu.memory_space<vmem_shared>>) dst(%arg14 : memref<256x32xf32, #tpu.memory_space<vmem>>)
      %add3A_114 = arith.constant 2 : i32
      %add3A_115 = arith.addi %add3A_107, %add3A_114 : i32
      %lt3A_116 = arith.constant 128 : i32
      %lt3A_117 = arith.cmpi slt, %add3A_115, %lt3A_116 : i32
      %convert_element_type3A_118 = arith.extui %lt3A_117 : i1 to i32
      %cond3A_119 = arith.constant 0 : i32
      %cond3A_120 = arith.cmpi ne, %convert_element_type3A_118, %cond3A_119 : i32
      scf.if %cond3A_120 {
        %add3A_130 = arith.constant 2 : i32
        %add3A_131 = arith.addi %add3A_107, %add3A_130 : i32
        %mul3A_132 = arith.constant 256 : i32
        %mul3A_133 = arith.muli %add3A_131, %mul3A_132 : i32
        %add3A_134 = arith.addi %mul3A_2, %mul3A_133 : i32
        %dma_start3A_135 = tpu.memref_slice %arg4[%add3A_134] : memref<1048576xi32, #tpu.memory_space<hbm>> -> memref<256xi32, #tpu.memory_space<hbm>>
        %dma_start3A_136 = tpu.memref_slice %arg4[%add3A_134] : memref<1048576xi32, #tpu.memory_space<hbm>> -> memref<256xi32, #tpu.memory_space<hbm>>
        tpu.enqueue_dma source(%dma_start3A_136 : memref<256xi32, #tpu.memory_space<hbm>>) target(%arg9 : memref<256xi32, #tpu.memory_space<vmem>>) target_semaphore(%arg22 : memref<!tpu.dma_semaphore, #tpu.memory_space<semaphore_mem>>)
        %dma_start3A_137 = tpu.memref_slice %arg5[%add3A_134] : memref<1048576xi32, #tpu.memory_space<hbm>> -> memref<256xi32, #tpu.memory_space<hbm>>
        %dma_start3A_138 = tpu.memref_slice %arg5[%add3A_134] : memref<1048576xi32, #tpu.memory_space<hbm>> -> memref<256xi32, #tpu.memory_space<hbm>>
        tpu.enqueue_dma source(%dma_start3A_138 : memref<256xi32, #tpu.memory_space<hbm>>) target(%arg10 : memref<256xi32, #tpu.memory_space<vmem>>) target_semaphore(%arg22 : memref<!tpu.dma_semaphore, #tpu.memory_space<semaphore_mem>>)
      } else {
      }
      %parallel_loop3A_121 = arith.constant 0 : i32
      %parallel_loop3A_122 = arith.constant 256 : i32
      %parallel_loop3A_123 = arith.constant 1 : i32
      scf.for %parallel_loop3A_130 = %parallel_loop3A_121 to %parallel_loop3A_122 step %parallel_loop3A_123  : i32 {
        %parallel_loop3A_131 = arith.index_cast %parallel_loop3A_130 : i32 to index
        %parallel_loop3A_132 = arith.constant 0 : index
        %parallel_loop3A_133 = tpu.vector_load %arg13[%parallel_loop3A_131, %parallel_loop3A_132] {strides = array<i32>} : memref<256x32xf32, #tpu.memory_space<vmem>>, vector<16xf32>,
        %parallel_loop3A_134 = arith.index_cast %parallel_loop3A_130 : i32 to index
        %parallel_loop3A_135 = arith.constant 0 : index
        %parallel_loop3A_136 = tpu.vector_load %arg14[%parallel_loop3A_134, %parallel_loop3A_135] {strides = array<i32>} : memref<256x32xf32, #tpu.memory_space<vmem>>, vector<16xf32>,
        %parallel_loop3A_137 = arith.index_cast %parallel_loop3A_130 : i32 to index
        %parallel_loop3A_138 = arith.constant 16 : index
        %parallel_loop3A_139 = tpu.vector_load %arg13[%parallel_loop3A_137, %parallel_loop3A_138] {strides = array<i32>} : memref<256x32xf32, #tpu.memory_space<vmem>>, vector<16xf32>,
        %parallel_loop3A_140 = arith.index_cast %parallel_loop3A_130 : i32 to index
        %parallel_loop3A_141 = arith.constant 16 : index
        %parallel_loop3A_142 = tpu.vector_load %arg14[%parallel_loop3A_140, %parallel_loop3A_141] {strides = array<i32>} : memref<256x32xf32, #tpu.memory_space<vmem>>, vector<16xf32>,
        %parallel_loop3A_143 = arith.mulf %parallel_loop3A_133, %parallel_loop3A_136 : vector<16xf32>
        %parallel_loop3A_144 = arith.mulf %parallel_loop3A_139, %parallel_loop3A_142 : vector<16xf32>
        %parallel_loop3A_145 = arith.addf %parallel_loop3A_143, %parallel_loop3A_144 : vector<16xf32>
        %parallel_loop3A_146 = vector.broadcast %parallel_loop3A_130 : i32 to vector<16xi32>
        %parallel_loop3A_147 = arith.addi %mul3A_28, %parallel_loop3A_146 : vector<16xi32>
        tpu.vector_store_idx %arg15[%parallel_loop3A_147], %parallel_loop3A_145 : memref<4112xf32, #tpu.memory_space<vmem>>[vector<16xi32>], vector<16xf32>,
      } {sc.loop_unroll_factor = 16 : i64, sc.parallel_access}
      %mul3A_124 = arith.constant 256 : i32
      %mul3A_125 = arith.muli %add3A_107, %mul3A_124 : i32
      %parallel_loop3A_126 = arith.constant 0 : i32
      %parallel_loop3A_127 = arith.constant 16 : i32
      %parallel_loop3A_128 = arith.constant 1 : i32
      scf.for %parallel_loop3A_130 = %parallel_loop3A_126 to %parallel_loop3A_127 step %parallel_loop3A_128  : i32 {
        %parallel_loop3A_131 = arith.constant 16 : i32
        %parallel_loop3A_132 = arith.muli %parallel_loop3A_130, %parallel_loop3A_131 : i32
        %parallel_loop3A_133 = arith.constant 0 : i32
        %parallel_loop3A_134 = arith.addi %parallel_loop3A_133, %parallel_loop3A_132 : i32
        %parallel_loop3A_135 = arith.index_cast %parallel_loop3A_134 : i32 to index
        %parallel_loop3A_136 = tpu.vector_load %arg15[%parallel_loop3A_135] {strides = array<i32>} : memref<4112xf32, #tpu.memory_space<vmem>>, vector<16xf32>,
        %parallel_loop3A_137 = arith.constant 16 : i32
        %parallel_loop3A_138 = arith.muli %parallel_loop3A_130, %parallel_loop3A_137 : i32
        %parallel_loop3A_139 = arith.constant 257 : i32
        %parallel_loop3A_140 = arith.addi %parallel_loop3A_139, %parallel_loop3A_138 : i32
        %parallel_loop3A_141 = arith.index_cast %parallel_loop3A_140 : i32 to index
        %parallel_loop3A_142 = tpu.vector_load %arg15[%parallel_loop3A_141] {strides = array<i32>} : memref<4112xf32, #tpu.memory_space<vmem>>, vector<16xf32>,
        %parallel_loop3A_143 = arith.constant 16 : i32
        %parallel_loop3A_144 = arith.muli %parallel_loop3A_130, %parallel_loop3A_143 : i32
        %parallel_loop3A_145 = arith.constant 514 : i32
        %parallel_loop3A_146 = arith.addi %parallel_loop3A_145, %parallel_loop3A_144 : i32
        %parallel_loop3A_147 = arith.index_cast %parallel_loop3A_146 : i32 to index
        %parallel_loop3A_148 = tpu.vector_load %arg15[%parallel_loop3A_147] {strides = array<i32>} : memref<4112xf32, #tpu.memory_space<vmem>>, vector<16xf32>,
        %parallel_loop3A_149 = arith.constant 16 : i32
        %parallel_loop3A_150 = arith.muli %parallel_loop3A_130, %parallel_loop3A_149 : i32
        %parallel_loop3A_151 = arith.constant 771 : i32
        %parallel_loop3A_152 = arith.addi %parallel_loop3A_151, %parallel_loop3A_150 : i32
        %parallel_loop3A_153 = arith.index_cast %parallel_loop3A_152 : i32 to index
        %parallel_loop3A_154 = tpu.vector_load %arg15[%parallel_loop3A_153] {strides = array<i32>} : memref<4112xf32, #tpu.memory_space<vmem>>, vector<16xf32>,
        %parallel_loop3A_155 = arith.constant 16 : i32
        %parallel_loop3A_156 = arith.muli %parallel_loop3A_130, %parallel_loop3A_155 : i32
        %parallel_loop3A_157 = arith.constant 1028 : i32
        %parallel_loop3A_158 = arith.addi %parallel_loop3A_157, %parallel_loop3A_156 : i32
        %parallel_loop3A_159 = arith.index_cast %parallel_loop3A_158 : i32 to index
        %parallel_loop3A_160 = tpu.vector_load %arg15[%parallel_loop3A_159] {strides = array<i32>} : memref<4112xf32, #tpu.memory_space<vmem>>, vector<16xf32>,
        %parallel_loop3A_161 = arith.constant 16 : i32
        %parallel_loop3A_162 = arith.muli %parallel_loop3A_130, %parallel_loop3A_161 : i32
        %parallel_loop3A_163 = arith.constant 1285 : i32
        %parallel_loop3A_164 = arith.addi %parallel_loop3A_163, %parallel_loop3A_162 : i32
        %parallel_loop3A_165 = arith.index_cast %parallel_loop3A_164 : i32 to index
        %parallel_loop3A_166 = tpu.vector_load %arg15[%parallel_loop3A_165] {strides = array<i32>} : memref<4112xf32, #tpu.memory_space<vmem>>, vector<16xf32>,
        %parallel_loop3A_167 = arith.constant 16 : i32
        %parallel_loop3A_168 = arith.muli %parallel_loop3A_130, %parallel_loop3A_167 : i32
        %parallel_loop3A_169 = arith.constant 1542 : i32
        %parallel_loop3A_170 = arith.addi %parallel_loop3A_169, %parallel_loop3A_168 : i32
        %parallel_loop3A_171 = arith.index_cast %parallel_loop3A_170 : i32 to index
        %parallel_loop3A_172 = tpu.vector_load %arg15[%parallel_loop3A_171] {strides = array<i32>} : memref<4112xf32, #tpu.memory_space<vmem>>, vector<16xf32>,
        %parallel_loop3A_173 = arith.constant 16 : i32
        %parallel_loop3A_174 = arith.muli %parallel_loop3A_130, %parallel_loop3A_173 : i32
        %parallel_loop3A_175 = arith.constant 1799 : i32
        %parallel_loop3A_176 = arith.addi %parallel_loop3A_175, %parallel_loop3A_174 : i32
        %parallel_loop3A_177 = arith.index_cast %parallel_loop3A_176 : i32 to index
        %parallel_loop3A_178 = tpu.vector_load %arg15[%parallel_loop3A_177] {strides = array<i32>} : memref<4112xf32, #tpu.memory_space<vmem>>, vector<16xf32>,
        %parallel_loop3A_179 = arith.constant 16 : i32
        %parallel_loop3A_180 = arith.muli %parallel_loop3A_130, %parallel_loop3A_179 : i32
        %parallel_loop3A_181 = arith.constant 2056 : i32
        %parallel_loop3A_182 = arith.addi %parallel_loop3A_181, %parallel_loop3A_180 : i32
        %parallel_loop3A_183 = arith.index_cast %parallel_loop3A_182 : i32 to index
        %parallel_loop3A_184 = tpu.vector_load %arg15[%parallel_loop3A_183] {strides = array<i32>} : memref<4112xf32, #tpu.memory_space<vmem>>, vector<16xf32>,
        %parallel_loop3A_185 = arith.constant 16 : i32
        %parallel_loop3A_186 = arith.muli %parallel_loop3A_130, %parallel_loop3A_185 : i32
        %parallel_loop3A_187 = arith.constant 2313 : i32
        %parallel_loop3A_188 = arith.addi %parallel_loop3A_187, %parallel_loop3A_186 : i32
        %parallel_loop3A_189 = arith.index_cast %parallel_loop3A_188 : i32 to index
        %parallel_loop3A_190 = tpu.vector_load %arg15[%parallel_loop3A_189] {strides = array<i32>} : memref<4112xf32, #tpu.memory_space<vmem>>, vector<16xf32>,
        %parallel_loop3A_191 = arith.constant 16 : i32
        %parallel_loop3A_192 = arith.muli %parallel_loop3A_130, %parallel_loop3A_191 : i32
        %parallel_loop3A_193 = arith.constant 2570 : i32
        %parallel_loop3A_194 = arith.addi %parallel_loop3A_193, %parallel_loop3A_192 : i32
        %parallel_loop3A_195 = arith.index_cast %parallel_loop3A_194 : i32 to index
        %parallel_loop3A_196 = tpu.vector_load %arg15[%parallel_loop3A_195] {strides = array<i32>} : memref<4112xf32, #tpu.memory_space<vmem>>, vector<16xf32>,
        %parallel_loop3A_197 = arith.constant 16 : i32
        %parallel_loop3A_198 = arith.muli %parallel_loop3A_130, %parallel_loop3A_197 : i32
        %parallel_loop3A_199 = arith.constant 2827 : i32
        %parallel_loop3A_200 = arith.addi %parallel_loop3A_199, %parallel_loop3A_198 : i32
        %parallel_loop3A_201 = arith.index_cast %parallel_loop3A_200 : i32 to index
        %parallel_loop3A_202 = tpu.vector_load %arg15[%parallel_loop3A_201] {strides = array<i32>} : memref<4112xf32, #tpu.memory_space<vmem>>, vector<16xf32>,
        %parallel_loop3A_203 = arith.constant 16 : i32
        %parallel_loop3A_204 = arith.muli %parallel_loop3A_130, %parallel_loop3A_203 : i32
        %parallel_loop3A_205 = arith.constant 3084 : i32
        %parallel_loop3A_206 = arith.addi %parallel_loop3A_205, %parallel_loop3A_204 : i32
        %parallel_loop3A_207 = arith.index_cast %parallel_loop3A_206 : i32 to index
        %parallel_loop3A_208 = tpu.vector_load %arg15[%parallel_loop3A_207] {strides = array<i32>} : memref<4112xf32, #tpu.memory_space<vmem>>, vector<16xf32>,
        %parallel_loop3A_209 = arith.constant 16 : i32
        %parallel_loop3A_210 = arith.muli %parallel_loop3A_130, %parallel_loop3A_209 : i32
        %parallel_loop3A_211 = arith.constant 3341 : i32
        %parallel_loop3A_212 = arith.addi %parallel_loop3A_211, %parallel_loop3A_210 : i32
        %parallel_loop3A_213 = arith.index_cast %parallel_loop3A_212 : i32 to index
        %parallel_loop3A_214 = tpu.vector_load %arg15[%parallel_loop3A_213] {strides = array<i32>} : memref<4112xf32, #tpu.memory_space<vmem>>, vector<16xf32>,
        %parallel_loop3A_215 = arith.constant 16 : i32
        %parallel_loop3A_216 = arith.muli %parallel_loop3A_130, %parallel_loop3A_215 : i32
        %parallel_loop3A_217 = arith.constant 3598 : i32
        %parallel_loop3A_218 = arith.addi %parallel_loop3A_217, %parallel_loop3A_216 : i32
        %parallel_loop3A_219 = arith.index_cast %parallel_loop3A_218 : i32 to index
        %parallel_loop3A_220 = tpu.vector_load %arg15[%parallel_loop3A_219] {strides = array<i32>} : memref<4112xf32, #tpu.memory_space<vmem>>, vector<16xf32>,
        %parallel_loop3A_221 = arith.constant 16 : i32
        %parallel_loop3A_222 = arith.muli %parallel_loop3A_130, %parallel_loop3A_221 : i32
        %parallel_loop3A_223 = arith.constant 3855 : i32
        %parallel_loop3A_224 = arith.addi %parallel_loop3A_223, %parallel_loop3A_222 : i32
        %parallel_loop3A_225 = arith.index_cast %parallel_loop3A_224 : i32 to index
        %parallel_loop3A_226 = tpu.vector_load %arg15[%parallel_loop3A_225] {strides = array<i32>} : memref<4112xf32, #tpu.memory_space<vmem>>, vector<16xf32>,
        %parallel_loop3A_227 = arith.addf %parallel_loop3A_136, %parallel_loop3A_142 : vector<16xf32>
        %parallel_loop3A_228 = arith.addf %parallel_loop3A_148, %parallel_loop3A_154 : vector<16xf32>
        %parallel_loop3A_229 = arith.addf %parallel_loop3A_160, %parallel_loop3A_166 : vector<16xf32>
        %parallel_loop3A_230 = arith.addf %parallel_loop3A_172, %parallel_loop3A_178 : vector<16xf32>
        %parallel_loop3A_231 = arith.addf %parallel_loop3A_184, %parallel_loop3A_190 : vector<16xf32>
        %parallel_loop3A_232 = arith.addf %parallel_loop3A_196, %parallel_loop3A_202 : vector<16xf32>
        %parallel_loop3A_233 = arith.addf %parallel_loop3A_208, %parallel_loop3A_214 : vector<16xf32>
        %parallel_loop3A_234 = arith.addf %parallel_loop3A_220, %parallel_loop3A_226 : vector<16xf32>
        %parallel_loop3A_235 = arith.addf %parallel_loop3A_227, %parallel_loop3A_228 : vector<16xf32>
        %parallel_loop3A_236 = arith.addf %parallel_loop3A_229, %parallel_loop3A_230 : vector<16xf32>
        %parallel_loop3A_237 = arith.addf %parallel_loop3A_231, %parallel_loop3A_232 : vector<16xf32>
        %parallel_loop3A_238 = arith.addf %parallel_loop3A_233, %parallel_loop3A_234 : vector<16xf32>
        %parallel_loop3A_239 = arith.addf %parallel_loop3A_235, %parallel_loop3A_236 : vector<16xf32>
        %parallel_loop3A_240 = arith.addf %parallel_loop3A_237, %parallel_loop3A_238 : vector<16xf32>
        %parallel_loop3A_241 = arith.addf %parallel_loop3A_239, %parallel_loop3A_240 : vector<16xf32>
        %parallel_loop3A_242 = arith.constant 0.176776692 : f32
        %parallel_loop3A_243 = vector.broadcast %parallel_loop3A_242 : f32 to vector<16xf32>
        %parallel_loop3A_244 = arith.mulf %parallel_loop3A_241, %parallel_loop3A_243 : vector<16xf32>
        %parallel_loop3A_245 = arith.constant 16 : i32
        %parallel_loop3A_246 = arith.muli %parallel_loop3A_130, %parallel_loop3A_245 : i32
        %parallel_loop3A_247 = arith.addi %mul3A_125, %parallel_loop3A_246 : i32
        %parallel_loop3A_248 = arith.index_cast %parallel_loop3A_247 : i32 to index
        %parallel_loop3A_249 = tpu.vector_load %arg16[%parallel_loop3A_248] {strides = array<i32>} : memref<32768xf32, #tpu.memory_space<vmem>>, vector<16xf32>,
        tpu.vector_store %arg16[%parallel_loop3A_248], %parallel_loop3A_244 {strides = array<i32>} : memref<32768xf32, #tpu.memory_space<vmem>>, vector<16xf32>,
      } {sc.loop_unroll_factor = 4 : i64, sc.parallel_access}
      %scan3A_129 = arith.constant 0 : i32
      scf.yield %scan3A_129 : i32
    }
    %scan3A_58 = arith.constant 64 : i32
    "tpu.region"() ({
      %run_scoped3A = tpu.sem_alloc : memref<!tpu.dma_semaphore, #tpu.memory_space<semaphore_mem>>
      %dma_start3A_59 = tpu.memref_slice %arg6[%mul3A_2] : memref<1048576xf32, #tpu.memory_space<hbm>> -> memref<32768xf32, #tpu.memory_space<hbm>>
      %dma_start3A_60 = tpu.memref_slice %arg6[%mul3A_2] : memref<1048576xf32, #tpu.memory_space<hbm>> -> memref<32768xf32, #tpu.memory_space<hbm>>
      tpu.enqueue_dma source(%arg16 : memref<32768xf32, #tpu.memory_space<vmem>>) target(%dma_start3A_60 : memref<32768xf32, #tpu.memory_space<hbm>>) target_semaphore(%run_scoped3A : memref<!tpu.dma_semaphore, #tpu.memory_space<semaphore_mem>>)
      %dma_wait3A_61 = tpu.memref_slice %arg6[%mul3A_2] : memref<1048576xf32, #tpu.memory_space<hbm>> -> memref<32768xf32, #tpu.memory_space<hbm>>
      %dma_wait3A_62 = tpu.memref_slice %arg6[%mul3A_2] : memref<1048576xf32, #tpu.memory_space<hbm>> -> memref<32768xf32, #tpu.memory_space<hbm>>
      tpu.wait_dma2 semaphore(%run_scoped3A : memref<!tpu.dma_semaphore, #tpu.memory_space<semaphore_mem>>) src(%arg16 : memref<32768xf32, #tpu.memory_space<vmem>>) dst(%dma_wait3A_62 : memref<32768xf32, #tpu.memory_space<hbm>>)
      tpu.yield
    }) : () -> ()
    return
  }
}

module attributes {stable_mosaic.version = 14 : i64} {
  func.func @_kq_body(%arg0: i32, %arg1: memref<2048x128xf32, #tpu.memory_space<vmem>>, %arg2: memref<128x32xf32, #tpu.memory_space<vmem>>, %arg3: memref<1x32xf32, #tpu.memory_space<vmem>>, %arg4: memref<128x32xf32, #tpu.memory_space<vmem>>, %arg5: memref<1x32xf32, #tpu.memory_space<vmem>>, %arg6: memref<2048x32xf32, #tpu.memory_space<vmem>>, %arg7: memref<2048x32xf32, #tpu.memory_space<vmem>>) attributes {dimension_semantics = [#tpu.dimension_semantics<arbitrary>], iteration_bounds = array<i64: 8>, scalar_prefetch = 0 : i64, scratch_operands = 0 : i64, tpu.core_type = #tpu.core_type<tc>, window_params = [{transform_indices = @transform_0, window_bounds = array<i64: 2048, 128>}, {pipeline_mode = #tpu.pipeline_mode<synchronous>, transform_indices = @transform_1, window_bounds = array<i64: 128, 32>}, {pipeline_mode = #tpu.pipeline_mode<synchronous>, transform_indices = @transform_2, window_bounds = array<i64: 1, 32>}, {pipeline_mode = #tpu.pipeline_mode<synchronous>, transform_indices = @transform_3, window_bounds = array<i64: 128, 32>}, {pipeline_mode = #tpu.pipeline_mode<synchronous>, transform_indices = @transform_4, window_bounds = array<i64: 1, 32>}, {transform_indices = @transform_5, window_bounds = array<i64: 2048, 32>}, {transform_indices = @transform_6, window_bounds = array<i64: 2048, 32>}]} {
    %get3A = arith.constant 0 : index
    %get3A_0 = arith.constant 0 : index
    %get3A_1 = vector.load %arg1[%get3A, %get3A_0] : memref<2048x128xf32, #tpu.memory_space<vmem>>, vector<2048x128xf32>
    %get3A_2 = arith.constant 0 : index
    %get3A_3 = arith.constant 0 : index
    %get3A_4 = vector.load %arg2[%get3A_2, %get3A_3] : memref<128x32xf32, #tpu.memory_space<vmem>>, vector<128x32xf32>
    %dot_general3A = arith.constant dense<0.000000e+00> : vector<2048x32xf32>
    %dot_general3A_5 = tpu.matmul %get3A_1, %get3A_4, %dot_general3A {dimension_numbers = #tpu.dot_dimension_numbers<[1], [0], [0], [1], [0, 0, 1, 1], [], []>, precision = #tpu.contract_precision<fp32>, transpose_lhs_hint = false} : vector<2048x128xf32>, vector<128x32xf32>, vector<2048x32xf32> -> vector<2048x32xf32>
    %get3A_6 = arith.constant 0 : index
    %get3A_7 = arith.constant 0 : index
    %get3A_8 = vector.load %arg3[%get3A_6, %get3A_7] : memref<1x32xf32, #tpu.memory_space<vmem>>, vector<1x32xf32>
    %add3A = vector.broadcast %get3A_8 : vector<1x32xf32> to vector<2048x32xf32>
    %add3A_9 = arith.addf %dot_general3A_5, %add3A : vector<2048x32xf32>
    %swap3A = arith.constant 0 : index
    %swap3A_10 = arith.constant 0 : index
    %swap3A_11 = vector.load %arg6[%swap3A, %swap3A_10] : memref<2048x32xf32, #tpu.memory_space<vmem>>, vector<2048x32xf32>
    tpu.vector_store %arg6[%swap3A, %swap3A_10], %add3A_9 {strides = array<i32>} : memref<2048x32xf32, #tpu.memory_space<vmem>>, vector<2048x32xf32>,
    %get3A_12 = arith.constant 0 : index
    %get3A_13 = arith.constant 0 : index
    %get3A_14 = vector.load %arg4[%get3A_12, %get3A_13] : memref<128x32xf32, #tpu.memory_space<vmem>>, vector<128x32xf32>
    %dot_general3A_15 = arith.constant dense<0.000000e+00> : vector<2048x32xf32>
    %dot_general3A_16 = tpu.matmul %get3A_1, %get3A_14, %dot_general3A_15 {dimension_numbers = #tpu.dot_dimension_numbers<[1], [0], [0], [1], [0, 0, 1, 1], [], []>, precision = #tpu.contract_precision<fp32>, transpose_lhs_hint = false} : vector<2048x128xf32>, vector<128x32xf32>, vector<2048x32xf32> -> vector<2048x32xf32>
    %get3A_17 = arith.constant 0 : index
    %get3A_18 = arith.constant 0 : index
    %get3A_19 = vector.load %arg5[%get3A_17, %get3A_18] : memref<1x32xf32, #tpu.memory_space<vmem>>, vector<1x32xf32>
    %add3A_20 = vector.broadcast %get3A_19 : vector<1x32xf32> to vector<2048x32xf32>
    %add3A_21 = arith.addf %dot_general3A_16, %add3A_20 : vector<2048x32xf32>
    %swap3A_22 = arith.constant 0 : index
    %swap3A_23 = arith.constant 0 : index
    %swap3A_24 = vector.load %arg7[%swap3A_22, %swap3A_23] : memref<2048x32xf32, #tpu.memory_space<vmem>>, vector<2048x32xf32>
    tpu.vector_store %arg7[%swap3A_22, %swap3A_23], %add3A_21 {strides = array<i32>} : memref<2048x32xf32, #tpu.memory_space<vmem>>, vector<2048x32xf32>,
    return
  }
  func.func @transform_0(%arg0: i32) -> (i32, i32) {
    %c0_i32 = arith.constant 0 : i32
    %c0_i32_0 = arith.constant 0 : i32
    return %arg0, %c0_i32 : i32, i32
  }
  func.func @transform_1(%arg0: i32) -> (i32, i32) {
    %c0_i32 = arith.constant 0 : i32
    %c0_i32_0 = arith.constant 0 : i32
    %c0_i32_1 = arith.constant 0 : i32
    return %c0_i32, %c0_i32_0 : i32, i32
  }
  func.func @transform_2(%arg0: i32) -> (i32, i32) {
    %c0_i32 = arith.constant 0 : i32
    %c0_i32_0 = arith.constant 0 : i32
    %c0_i32_1 = arith.constant 0 : i32
    return %c0_i32, %c0_i32_0 : i32, i32
  }
  func.func @transform_3(%arg0: i32) -> (i32, i32) {
    %c0_i32 = arith.constant 0 : i32
    %c0_i32_0 = arith.constant 0 : i32
    %c0_i32_1 = arith.constant 0 : i32
    return %c0_i32, %c0_i32_0 : i32, i32
  }
  func.func @transform_4(%arg0: i32) -> (i32, i32) {
    %c0_i32 = arith.constant 0 : i32
    %c0_i32_0 = arith.constant 0 : i32
    %c0_i32_1 = arith.constant 0 : i32
    return %c0_i32, %c0_i32_0 : i32, i32
  }
  func.func @transform_5(%arg0: i32) -> (i32, i32) {
    %c0_i32 = arith.constant 0 : i32
    %c0_i32_0 = arith.constant 0 : i32
    return %arg0, %c0_i32 : i32, i32
  }
  func.func @transform_6(%arg0: i32) -> (i32, i32) {
    %c0_i32 = arith.constant 0 : i32
    %c0_i32_0 = arith.constant 0 : i32
    return %arg0, %c0_i32 : i32, i32
  }
}

</mosaic_0001>

<sc_bundles>
// kernel: kernel.4.cloned.1.call-start
scs
__scs_entry_jumppad:
0x0: {  	(pc) =	sbr.rel $0x88, $3  }
0x1: {  	(tag) =	ssettag $0x0;
	lr =	simm.s32 $0x1  }
0x2: {  	[smem:$0x3F9B] =	sst lr;
	_ =	strace $0xD0000000  }
0x3: {  	_ = 	snop  }
0x4: {  	_ = 	snop  }
0x5: {  	_ = 	snop  }
0x6: {  	_ = 	snop  }
0x7: {  	_ = 	snop  }
__scs_overlays_trampoline_lowered:
0x8: {  	[smem:$0x3FAA] =	sst s0  }
0x9: {  	[smem:$0x3FAB] =	sst s1  }
0xa: {  	[smem:$0x3FAC] =	sst s2  }
0xb: {  	[smem:$0x3FAD] =	sst s3  }
0xc: {  	[smem:$0x3FAE] =	sst s4  }
0xd: {  	[smem:$0x3FAF] =	sst s5  }
0xe: {  	[smem:$0x3FB0] =	sst s6  }
0xf: {  	[smem:$0x3FB1] =	sst s7  }
0x10: {  	[smem:$0x3FB2] =	sst s8  }
0x11: {  	[smem:$0x3FB3] =	sst s9;
	s0 =	simm.s32 @!p0 $0x0  }
0x12: {  	s1 =	sld [smem:$0x3F99];
	s0 =	simm.s32 @p0 $0x1  }
0x13: {  	[smem:$0x3FB4] =	sst s0;
	s0 =	simm.s32 @!p1 $0x0  }
0x14: {  	s2 =	sld [smem:$0x3F98];
	s0 =	simm.s32 @p1 $0x1  }
0x15: {  	[smem:$0x3FB5] =	sst s0;
	s0 =	simm.s32 @!p2 $0x0  }
0x16: {  	s3 =	sld [smem:$0x3FDB];
	s0 =	simm.s32 @p2 $0x1  }
0x17: {  	s4 =	simm.s32 $0x1BF5;
	[smem:$0x3FB7] =	sst s0  }
0x18: {  	s0 =	sld [smem:$0x3F9A];
	_ =	swait.ge [sflag:s4], $0x0  }
0x19: {  	s7 =	sld [smem:$0x3F9B]  }
0x1a: {  	s8 =	sadd.s32 $0xFFFFE003, lr  }
0x1b: {  	s9 =	sadd.s32 $0xFFFFFEF7, lr;
	s5 =	simm.s32 $0xFFFFFFFF;
	p2 =	slt.u32 s8, $0xFFFFF086  }
0x1c: {  	p1 =	slt.u32 s9, $0xF7A;
	s5 =	simm.s32 @!p2 $0x0  }
0x1d: {  	s5 =	simm.s32 @p1 $0x1;
	p0 =	seq.s32 s7, s2  }
0x1e: {  	s7 =	smul.u32 @!p0 $0xF7A, s2;
	p2 =	seq.s32 @!p0 s5, $0x0  }
0x1f: {  	s9 =	smul.u32 $0xF7A, s1;
	s8 =	simm.s32 @!p0 $0x1BF5;
	p2 =	por !p2, p0  }
0x20: {  	[sflag:s8] =	ssyncset.s32 @!p0 $0xFFFFF086;
	s6 =	sadd.s32 @!p0 s3, s7;
	s7 =	simm.s32 @!p0 $0x108  }
0x21: {  	s3 =	sadd.s32 s3, s9;
	s6 =	sadd.s32 @!p0 $0x88, s6;
	s7 =	simm.s32 @p2 $0x1082  }
0x22: {  	[simem:s7], [sflag:s8] =	dma.local @!p0 [hbm:s6], $0xF7A  }
0x23: {  	s9 =	sor.u32 $0xD0000000, s2;
	s6 =	simm.s32 $0x108;
	_ =	swait.ge @!p0 [sflag:s8], $0x0  }
0x24: {  	s3 =	sadd.s32 $0x88, s3;
	s6 =	simm.s32 @!p1 $0x1082;
	[sflag:s4] =	ssyncset.s32 $0xFFFFF086  }
0x25: {  	[simem:s6], [sflag:s4] =	dma.local [hbm:s3], $0xF7A  }
0x26: {  	[smem:$0x3F9B] =	sst s1;
	(tag) =	ssettag s2;
	_ =	strace s9  }
0x27: {  	s1 =	sld [smem:$0x3FAB]  }
0x28: {  	s2 =	sld [smem:$0x3FAC]  }
0x29: {  	s4 =	sld [smem:$0x3FAE]  }
0x2a: {  	p0 =	seq.s32 s5, $0x0;
	s5 =	sld [smem:$0x3FAF]  }
0x2b: {  	s6 =	sld [smem:$0x3FB0]  }
0x2c: {  	s7 =	sld [smem:$0x3FB1]  }
0x2d: {  	s3 =	simm.s32 $0x108;
	s8 =	sld [smem:$0x3FB2]  }
0x2e: {  	s3 =	simm.s32 @!p0 $0x1082;
	s9 =	sld [smem:$0x3FB3]  }
0x2f: {  	lr =	sadd.s32 s0, s3;
	s0 =	sld [smem:$0x3FAA]  }
0x30: {  	s3 =	sld [smem:$0x3FAD]  }
0x31: {  	[smem:$0x3FB6] =	sst s10  }
0x32: {  	s10 =	sld [smem:$0x3FB4];
	_ =	sdelay $0x3  }
0x33: {  	p0 =	seq.s32 s10, $0x1;
	s10 =	sld [smem:$0x3FB6];
	_ =	sdelay $0x3  }
0x34: {  	[smem:$0x3FB6] =	sst s10  }
0x35: {  	s10 =	sld [smem:$0x3FB5];
	_ =	sdelay $0x3  }
0x36: {  	p1 =	seq.s32 s10, $0x1;
	s10 =	sld [smem:$0x3FB6];
	_ =	sdelay $0x3  }
0x37: {  	[smem:$0x3FB6] =	sst s10  }
0x38: {  	s10 =	sld [smem:$0x3FB7]  }
0x39: {  	_ = 	snop;
	(pc) =	sbr.ind lr, $3  }
0x3a: {  	_ = 	snop  }
0x3b: {  	_ = 	snop  }
0x3c: {  	p2 =	seq.s32 s10, $0x1;
	s10 =	sld [smem:$0x3FB6]  }
0x3d: {  	_ =	shalt  }
0x3e: {  	_ =	shalt  }
0x3f: {  	_ =	shalt  }
0x40: {  	_ =	shalt  }
0x41: {  	_ =	shalt  }
0x42: {  	_ =	shalt  }
0x43: {  	_ =	shalt  }
0x44: {  	_ =	shalt  }
0x45: {  	_ =	shalt  }
0x46: {  	_ =	shalt  }
0x47: {  	_ =	shalt  }
0x48: {  	_ =	shalt  }
0x49: {  	_ =	shalt  }
0x4a: {  	_ =	shalt  }
0x4b: {  	_ =	shalt  }
0x4c: {  	_ =	shalt  }
0x4d: {  	_ =	shalt  }
0x4e: {  	_ =	shalt  }
0x4f: {  	_ =	shalt  }
0x50: {  	_ =	shalt  }
0x51: {  	_ =	shalt  }
0x52: {  	_ =	shalt  }
0x53: {  	_ =	shalt  }
0x54: {  	_ =	shalt  }
0x55: {  	_ =	shalt  }
0x56: {  	_ =	shalt  }
0x57: {  	_ =	shalt  }
0x58: {  	_ =	shalt  }
0x59: {  	_ =	shalt  }
0x5a: {  	_ =	shalt  }
0x5b: {  	_ =	shalt  }
0x5c: {  	_ =	shalt  }
0x5d: {  	_ =	shalt  }
0x5e: {  	_ =	shalt  }
0x5f: {  	_ =	shalt  }
0x60: {  	_ =	shalt  }
0x61: {  	_ =	shalt  }
0x62: {  	_ =	shalt  }
0x63: {  	_ =	shalt  }
0x64: {  	_ =	shalt  }
0x65: {  	_ =	shalt  }
0x66: {  	_ =	shalt  }
0x67: {  	_ =	shalt  }
0x68: {  	_ =	shalt  }
0x69: {  	_ =	shalt  }
0x6a: {  	_ =	shalt  }
0x6b: {  	_ =	shalt  }
0x6c: {  	_ =	shalt  }
0x6d: {  	_ =	shalt  }
0x6e: {  	_ =	shalt  }
0x6f: {  	_ =	shalt  }
0x70: {  	_ =	shalt  }
0x71: {  	_ =	shalt  }
0x72: {  	_ =	shalt  }
0x73: {  	_ =	shalt  }
0x74: {  	_ =	shalt  }
0x75: {  	_ =	shalt  }
0x76: {  	_ =	shalt  }
0x77: {  	_ =	shalt  }
0x78: {  	_ =	shalt  }
0x79: {  	_ =	shalt  }
0x7a: {  	_ =	shalt  }
0x7b: {  	_ =	shalt  }
0x7c: {  	_ =	shalt  }
0x7d: {  	_ =	shalt  }
0x7e: {  	_ =	shalt  }
0x7f: {  	_ =	shalt  }
0x80: {  	_ =	shalt  }
0x81: {  	_ =	shalt  }
0x82: {  	_ =	shalt  }
0x83: {  	_ =	shalt  }
0x84: {  	_ =	shalt  }
0x85: {  	_ =	shalt  }
0x86: {  	_ =	shalt  }
0x87: {  	_ =	shalt  }
.Lfunc_end0:
.L_simem_size_0:
called_computation_lowered:
.L_overlay_start_0:
0x88: {  	s2 =	sld [smem:$0x3FD9]  }
0x89: {  	s3 =	sld [smem:$0x3FFE];
	_ =	sdelay $0x1  }
0x8a: {  	s1 =	srdreg.scid  }
0x8b: {  	s0 =	sand.u32 $0x1, s1  }
0x8c: {  	s17 =	sshll.u32 s0, $0xA;
	s2 =	sadd.s32 s3, s2  }
0x8d: {  	s2 =	sadd.s32 s2, s17  }
0x8e: {  	[smem:$0x3FC2] =	sst s2  }
0x8f: {  	_ = 	snop  }
0x90: {  	s2 =	sld [smem:$0x3FD0];
	(tm) =	ssettm $0x1  }
0x91: {  	s18 =	sld [smem:$0x3FFB];
	_ =	sdelay $0x3  }
0x92: {  	_ =	strace s18  }
0x93: {  	s3 =	sld [smem:$0x3FFC];
	_ =	sdelay $0x3  }
0x94: {  	_ =	strace s3  }
0x95: {  	s3 =	sld [smem:$0x3FFD];
	_ =	sdelay $0x3  }
0x96: {  	_ =	strace s3  }
0x97: {  	_ =	strace $0x8FFFFFFF  }
0x98: {  	s19 =	sld [smem:$0x3FDB];
	_ =	sdelay $0x1  }
0x99: {  	s4 =	simm.s32 $_scs_section_size  }
0x9a: {  	s5 =	simm.s32 $_size__tile_overlayer_lowered;
	s6 =	simm.s32 $_tile_overlayer_lowered  }
0x9b: {  	s22 =	simm.s32 $0x1BFF;
	s21 =	sshll.u32 s6, $0x1;
	s3 =	sadd.s32 s4, s19  }
0x9c: {  	s7 =	simm.s32 $0x0;
	s20 =	sshll.u32 s5, $0x1;
	s5 =	sadd.s32 s21, s3  }
0x9d: {  	[timem:s7], [sflag:s22] =	dma.local [hbm:s5], s20  }
0x9e: {  	_ =	swait.ge [sflag:s22], s20  }
0x9f: {  	s4 =	ssub.s32 $0x0, s20;
	[sflag:s22] =	ssyncset.done $0x0  }
0xa0: {  	[sflag:s22] =	ssyncadd.s32 s4;
	_ =	sdelay $0x1  }
0xa1: {  	s23 =	simm.s32 $0x1B8B  }
0xa2: {  	_ =	swait.ge [sflag:s23], $0x1  }
0xa3: {  	[sflag:s23] =	ssyncset.done $0x0  }
0xa4: {  	s25 =	simm.s32 $0x1B8E;
	s24 =	sld [smem:$0x3FFE];
	[sflag:s23] =	ssyncadd.s32 $0xFFFFFFFF  }
0xa5: {  	s26 =	simm.s32 $execute0_lowered;
	[smem:$0x3FD2] =	sst s25  }
0xa6: {  	s5 =	sshll.u32 s26, $0x1;
	_ =	strace $0x80000046;
	[dreg:$0x1] =	wrdreg $0xFFFFFFFF  }
0xa7: {  	s28 =	simm.s32 $_size_execute0_lowered;
	s3 =	sadd.s32 s3, s5;
	[dreg:$0x0] =	wrdreg $0x0  }
0xa8: {  	s5 =	sshll.u32 s28, $0x1;
	[dreg:$0x2] =	wrdreg s3  }
0xa9: {  	[dreg:$0x3] =	wrdreg s5  }
0xaa: {  	[dreg:$0x4] =	wrdreg $0xC0  }
0xab: {  	_ =	task [dreg:s7], $0x5FFFF  }
0xac: {  	[dreg:$0x1] =	wrdreg $0xFFFFFFFF  }
0xad: {  	[dreg:$0x0] =	wrdreg $0x60  }
0xae: {  	[dreg:$0x2] =	wrdreg s24  }
0xaf: {  	[dreg:$0x3] =	wrdreg s2  }
0xb0: {  	[dreg:$0x4] =	wrdreg $0x114100  }
0xb1: {  	[dreg:$0x5] =	wrdreg $0x154100  }
0xb2: {  	[dreg:$0x6] =	wrdreg $0x9  }
0xb3: {  	_ =	task.clear_ibuf [dreg:s7], $0x7FFFF;
	_ =	strace $0x90000046  }
0xb4: {  	s29 =	simm.s32 $0x9;
	_ =	strace $0x80000048  }
0xb5: {  	_ =	swait.ge [sflag:s29], $0x1  }
0xb6: {  	[sflag:s29] =	ssyncadd.s32 $0xFFFFFFFF  }
0xb7: {  	_ =	strace $0x90000048  }
0xb8: {  	_ =	sfence  }
0xb9: {  	s30 =	sld [smem:$0x0];
	_ =	sdelay $0x2  }
0xba: {  	s31 =	sshll.u32 s1, $0xD;
	s1 =	sshrl.u32 s1, $0x2  }
0xbb: {  	s3 =	sand.u32 $0x4000, s31;
	s1 =	sadd.s32 s1, s30  }
0xbc: {  	s0 =	sor.u32 s3, s0;
	s1 =	sshll.u32 s1, $0x11  }
0xbd: {  	s0 =	sor.u32 s1, s0  }
0xbe: {  	s0 =	sadd.s32 $0x8F2B, s0  }
0xbf: {  	[sflag:s0] =	ssyncadd.remote.s32 $0x1  }
0xc0: {  	_ =	sfence.sel $0xFFFF  }
0xc1: {  	[dreg:$0x0] =	wrdreg $0xFFFFFFFF;
	(pc) =	sbr.abs _section_cstart, $3  }
0xc2: {  	[dreg:$0x1] =	wrdreg $0xFFFFFFFF  }
0xc3: {  	_ =	task.clear_ibuf [dreg:s7], $0x2FFFF;
	_ =	strace $0x9FFFFFFF  }
0xc4: {  	(tm) =	ssettm $0x7FFFFFFF  }
0xc5: {  	_ =	shalt  }
tec
execute0_lowered:
.L_overlay_start_1:
0x0: {  	(tag) =	ssettag $0x1  }
0x1: {  	s0 =	rddreg [dreg:$0x0]  }
0x2: {  	s1 =	rddreg [dreg:$0x1]  }
0x3: {  	s2 =	rddreg [dreg:$0x2]  }
0x4: {  	s4 =	rddreg [dreg:$0x3]  }
0x5: {  	s3 =	srdreg.scid;
	s5 =	simm.s32 $0x0;
	s13 =	stileid.u32  }
0x6: {  	s28 =	simm.s32 $0x4;
	s29 =	simm.s32 $0x4400;
	s30 =	simm.s32 $0x6400  }
0x7: {  	s31 =	simm.s32 $0x1;
	s3 =	sand.u32 $0x1, s3;
	[smem:$0x7FF] =	sst s5  }
0x8: {  	s7 =	sshll.u32 s13, $0xE;
	s9 =	sshll.u32 s13, $0xF;
	s18 =	sshll.u32 s13, $0x6  }
0x9: {  	s19 =	sshll.u32 s13, $0x9;
	s6 =	sshll.u32 s3, $0x12;
	_ =	strace $0x80000047  }
0xa: {  	s8 =	sshll.u32 s3, $0x13;
	s3 =	ssub.s32 $0x2, s3;
	s12 =	sadd.s32 s7, s2  }
0xb: {  	s6 =	sor.u32 s7, s6;
	s9 =	sor.u32 s9, s8;
	s17 =	sshrl.u32 s3, $0x1  }
0xc: {  	s8 =	sor.u32 $0x1C05, s18;
	s7 =	sadd.s32 s7, s4;
	s25 =	sshrl.u32 s12, $0x3  }
0xd: {  	s6 =	sshrl.u32 s6, $0x3;
	s11 =	sshrl.u32 s9, $0x3;
	s3 =	ssub.s32 s3, s17  }
0xe: {  	s15 =	sor.u32 $0x300, s9;
	[dreg:$0xd] =	wrdreg s25;
	s26 =	sshrl.u32 s7, $0x3  }
0xf: {  	s25 =	simm.s32 $0x200;
	s7 =	simm.s32 $0x0;
	s10 =	sadd.s32 s6, s0  }
0x10: {  	s6 =	sadd.s32 $0x21800, s0;
	s20 =	sadd.s32 s1, s11;
	[dreg:$0xe] =	wrdreg s26  }
0x11: {  	s0 =	sadd.s32 s11, s0;
	s24 =	smax.u32 s3, $0x1;
	[dreg:$0x7] =	wrdreg s20  }
0x12: {  	s21 =	sor.u32 $0x20, s11;
	s14 =	sadd.s32 $0x1800, s10;
	[dreg:$0xc] =	wrdreg s24  }
0x13: {  	s26 =	simm.s32 $0x300;
	s10 =	sadd.s32 $0x11800, s10;
	[dreg:$0x5] =	wrdreg s14  }
0x14: {  	s3 =	simm.s32 $0x2;
	s11 =	sadd.s32 s6, s11;
	[dreg:$0x6] =	wrdreg s10  }
0x15: {  	s22 =	sadd.s32 s1, s21;
	s23 =	sadd.s32 s6, s21;
	[dreg:$0x8] =	wrdreg s11  }
0x16: {  	s0 =	sadd.s32 $0x41800, s0;
	s21 =	simm.s32 $0x100;
	[dreg:$0x9] =	wrdreg s22  }
0x17: {  	s24 =	simm.s32 $0x2400;
	s10 =	sand.u32 $0x1000, s19;
	[dreg:$0xa] =	wrdreg s23  }
0x18: {  	v2 =	vlaneseq.u32;
	s14 =	sor.u32 $0x200, s9;
	[dreg:$0xb] =	wrdreg s0;
	s19 =	simm.s32 $0x5  }
0x19: {  	v1 =	vmul.u32 $0x101, v2;
	v2 =	vand.u32 $0x7, v2;
	s22 =	simm.s32 $0x3;
	s23 =	simm.s32 $0x400;
	s0 =	simm.s32 $0x8400;
	v0 =	vmov s10  }
.LBB2_1:
0x1a: {  	s9 =	rddreg [dreg:$0x5]  }
0x1b: {  	s10 =	rddreg [dreg:$0xd]  }
0x1c: {  	[spmem:s10], [sflag:s8] =	dma.local [hbm:s9], $0x800  }
0x1d: {  	_ =	swait.ge [sflag:s19], $0x800  }
0x1e: {  	[sflag:s19] =	ssyncset.done $0x0;
	s16 =	rddreg [dreg:$0x6]  }
0x1f: {  	s17 =	rddreg [dreg:$0xe];
	[sflag:s19] =	ssyncadd.s32 $0xFFFFF800  }
0x20: {  	[spmem:s17], [sflag:s8] =	dma.local [hbm:s16], $0x800  }
0x21: {  	_ =	swait.ge [sflag:s19], $0x800  }
0x22: {  	[sflag:s19] =	ssyncset.done $0x0  }
0x23: {  	[sflag:s19] =	ssyncadd.s32 $0xFFFFF800  }
0x24: {  	[bflag:$0x0] =	sbarrier.arrive $0xFFFF  }
0x25: {  	s18 =	rddreg [dreg:$0x7]  }
0x26: {  	[tilespmem:s5], [sflag:$0x3] =	stream.linear.gather [hbm4b:s18+s5], $0x100, $0x38;
	[tilespmem:$0x19410] =	vst v63  }
0x27: {  	s20 =	rddreg [dreg:$0x8]  }
0x28: {  	[tilespmem:s21], [sflag:$0x3] =	stream.linear.gather [hbm4b:s20+s5], $0x100, $0x38;
	[tilespmem:$0x19410] =	vst v63  }
0x29: {  	_ =	swait.ge [sflag:s22], $0x100  }
0x2a: {  	[sflag:s22] =	ssyncset.done $0x0  }
0x2b: {  	[sflag:s22] =	ssyncadd.s32 $0xFFFFFF00  }
0x2c: {  	_ =	swait.ge [sflag:s22], $0x100  }
0x2d: {  	[sflag:s22] =	ssyncset.done $0x0  }
0x2e: {  	s11 =	simm.s32 $0x20;
	[sflag:s22] =	ssyncadd.s32 $0xFFFFFF00  }
0x2f: {  	v3 =	vld [tilespmem:s11+$0x10];
	_ =	sdelay $0x3  }
0x30: {  	v4 =	vld [tilespmem:s11+$0xFFFFFFF0]  }
0x31: {  	v5 =	vld [tilespmem:s11+$0xFFFFFFE0];
	v3 =	vadd.s32 v0, v3  }
0x32: {  	s9 =	simm.s32 $0x120;
	v6 =	vld [tilespmem:s11+$0x0];
	[tilespmem:s11+$0x10] =	vst v3  }
0x33: {  	s10 =	simm.s32 $0x60;
	v7 =	vld [tilespmem:s9+$0x10]  }
0x34: {  	v8 =	vld [tilespmem:s10+$0x10]  }
0x35: {  	v9 =	vld [tilespmem:s10+$0xFFFFFFF0];
	v3 =	vadd.s32 v0, v4  }
0x36: {  	v10 =	vld [tilespmem:s10+$0x0];
	[tilespmem:s11+$0xFFFFFFF0] =	vst v3;
	v3 =	vadd.s32 v0, v5  }
0x37: {  	v4 =	vadd.s32 v0, v6;
	v6 =	vld [tilespmem:s10+$0xFFFFFFE0];
	[tilespmem:s11+$0xFFFFFFE0] =	vst v3  }
0x38: {  	[tilespmem:s11+$0x0] =	vst v4;
	v3 =	vld [tilespmem:s9+$0xFFFFFFE0];
	v5 =	vadd.s32 v0, v7  }
0x39: {  	v4 =	vld [tilespmem:s9+$0xFFFFFFF0];
	v7 =	vadd.s32 v0, v8;
	[tilespmem:s9+$0x10] =	vst v5  }
0x3a: {  	s11 =	simm.s32 $0x160;
	v8 =	vadd.s32 v0, v9;
	[tilespmem:s10+$0x10] =	vst v7;
	v5 =	vld [tilespmem:s9+$0x0]  }
0x3b: {  	s12 =	simm.s32 $0x4;
	s13 =	simm.s32 $0xA0;
	[tilespmem:s10+$0xFFFFFFF0] =	vst v8;
	v8 =	vadd.s32 v0, v10;
	v7 =	vld [tilespmem:s11+$0x10]  }
.LBB2_2:
0x3c: {  	v9 =	vld [tilespmem:s13+$0x10];
	s12 =	sadd.s32 $0x4, s12;
	v6 =	vadd.s32 v0, v6;
	[tilespmem:s10+$0x0] =	vst v8  }
0x3d: {  	v8 =	vld [tilespmem:s13+$0xFFFFFFF0];
	p0 =	slt.u32 s12, $0xC;
	[tilespmem:s10+$0xFFFFFFE0] =	vst v6;
	v3 =	vadd.s32 v0, v3;
	s10 =	smov.u32 s13  }
0x3e: {  	v10 =	vld [tilespmem:s13+$0x0];
	[tilespmem:s9+$0xFFFFFFE0] =	vst v3;
	v3 =	vadd.s32 v0, v4  }
.Ltmp0:
0x3f: {  	v6 =	vld [tilespmem:s13+$0xFFFFFFE0];
	[tilespmem:s9+$0xFFFFFFF0] =	vst v3;
	v4 =	vadd.s32 v0, v5;
	(pc) =	sbr.rel @p0 .LBB2_2-.Ltmp0, $4  }
0x40: {  	v3 =	vld [tilespmem:s11+$0xFFFFFFE0];
	v5 =	vadd.s32 v0, v7;
	[tilespmem:s9+$0x0] =	vst v4;
	s9 =	smov.u32 s11  }
0x41: {  	v7 =	vadd.s32 v0, v9;
	v4 =	vld [tilespmem:s11+$0xFFFFFFF0];
	[tilespmem:s11+$0x10] =	vst v5  }
0x42: {  	s11 =	sadd.s32 $0x40, s11;
	v8 =	vadd.s32 v0, v8;
	[tilespmem:s13+$0x10] =	vst v7;
	v5 =	vld [tilespmem:s9+$0x0]  }
0x43: {  	s13 =	sadd.s32 $0x40, s13;
	[tilespmem:s10+$0xFFFFFFF0] =	vst v8;
	v8 =	vadd.s32 v0, v10;
	v7 =	vld [tilespmem:s11+$0x10]  }
0x44: {  	v6 =	vadd.s32 v0, v6  }
0x45: {  	[tilespmem:s10+$0xFFFFFFE0] =	vst v6  }
0x46: {  	v6 =	vld [tilespmem:s11+$0xFFFFFFE0]  }
0x47: {  	[tilespmem:s10+$0x0] =	vst v8;
	v61 =	vld [tilespmem:s11+$0xFFFFFFF0];
	v3 =	vadd.s32 v0, v3  }
0x48: {  	v62 =	vld [tilespmem:s11+$0x0];
	[tilespmem:s9+$0xFFFFFFE0] =	vst v3;
	v3 =	vadd.s32 v0, v4  }
0x49: {  	[tilespmem:s9+$0xFFFFFFF0] =	vst v3;
	v3 =	vadd.s32 v0, v5  }
0x4a: {  	v63 =	vadd.s32 v0, v7;
	[tilespmem:s9+$0x0] =	vst v3  }
0x4b: {  	[tilespmem:s11+$0x10] =	vst v63;
	v3 =	vadd.s32 v0, v6  }
0x4c: {  	[tilespmem:s11+$0xFFFFFFE0] =	vst v3;
	v3 =	vadd.s32 v0, v61  }
0x4d: {  	[tilespmem:s11+$0xFFFFFFF0] =	vst v3;
	v3 =	vadd.s32 v0, v62  }
0x4e: {  	s9 =	simm.s32 $0x0;
	[tilespmem:s11+$0x0] =	vst v3  }
0x4f: {  	[tilespmem:s23], [sflag:$0x1] =	stream.indirect.gather [spmem:s2], $0x20, s9, s21, $0xb8;
	[tilespmem:$0x19410] =	vst v63  }
0x50: {  	_ = 	snop  }
0x51: {  	[tilespmem:s24], [sflag:$0x1] =	stream.indirect.gather [spmem:s4], $0x20, s21, s21, $0xb8;
	[tilespmem:$0x19410] =	vst v63  }
0x52: {  	s10 =	rddreg [dreg:$0x9]  }
0x53: {  	[tilespmem:s25], [sflag:$0x4] =	stream.linear.gather [hbm4b:s10+s9], $0x100, $0x38;
	[tilespmem:$0x19410] =	vst v63  }
0x54: {  	s11 =	simm.s32 $0x9540;
	s20 =	rddreg [dreg:$0xa];
	s10 =	simm.s32 $0x9430  }
0x55: {  	[tilespmem:s26], [sflag:$0x4] =	stream.linear.gather [hbm4b:s20+s9], $0x100, $0x38;
	[tilespmem:$0x19410] =	vst v63  }
.LBB2_4:
0x56: {  	_ =	swait.ge [sflag:s28], $0x100  }
0x57: {  	[sflag:s28] =	ssyncset.done $0x0  }
0x58: {  	[sflag:s28] =	ssyncadd.s32 $0xFFFFFF00  }
0x59: {  	_ =	swait.ge [sflag:s28], $0x100  }
0x5a: {  	[sflag:s28] =	ssyncset.done $0x0  }
0x5b: {  	s16 =	simm.s32 $0x220;
	[sflag:s28] =	ssyncadd.s32 $0xFFFFFF00  }
0x5c: {  	v3 =	vld [tilespmem:s16+$0x10];
	_ =	sdelay $0x3  }
0x5d: {  	v4 =	vld [tilespmem:s16+$0xFFFFFFF0]  }
0x5e: {  	v5 =	vld [tilespmem:s16+$0xFFFFFFE0];
	v3 =	vadd.s32 v0, v3  }
0x5f: {  	s12 =	simm.s32 $0x320;
	v6 =	vld [tilespmem:s16+$0x0];
	[tilespmem:s16+$0x10] =	vst v3  }
0x60: {  	s13 =	simm.s32 $0x260;
	v7 =	vld [tilespmem:s12+$0x10]  }
0x61: {  	v8 =	vld [tilespmem:s13+$0x10]  }
0x62: {  	v9 =	vld [tilespmem:s13+$0xFFFFFFF0];
	v3 =	vadd.s32 v0, v4  }
0x63: {  	v10 =	vld [tilespmem:s13+$0x0];
	[tilespmem:s16+$0xFFFFFFF0] =	vst v3;
	v3 =	vadd.s32 v0, v5  }
0x64: {  	v4 =	vadd.s32 v0, v6;
	v6 =	vld [tilespmem:s13+$0xFFFFFFE0];
	[tilespmem:s16+$0xFFFFFFE0] =	vst v3  }
0x65: {  	[tilespmem:s16+$0x0] =	vst v4;
	v3 =	vld [tilespmem:s12+$0xFFFFFFE0];
	v5 =	vadd.s32 v0, v7  }
0x66: {  	v4 =	vld [tilespmem:s12+$0xFFFFFFF0];
	v7 =	vadd.s32 v0, v8;
	[tilespmem:s12+$0x10] =	vst v5  }
0x67: {  	s16 =	simm.s32 $0x360;
	v8 =	vadd.s32 v0, v9;
	[tilespmem:s13+$0x10] =	vst v7;
	v5 =	vld [tilespmem:s12+$0x0]  }
0x68: {  	s17 =	simm.s32 $0x4;
	s18 =	simm.s32 $0x2A0;
	[tilespmem:s13+$0xFFFFFFF0] =	vst v8;
	v8 =	vadd.s32 v0, v10;
	v7 =	vld [tilespmem:s16+$0x10]  }
.LBB2_5:
0x69: {  	v9 =	vld [tilespmem:s18+$0x10];
	s17 =	sadd.s32 $0x4, s17;
	v6 =	vadd.s32 v0, v6;
	[tilespmem:s13+$0x0] =	vst v8  }
0x6a: {  	v8 =	vld [tilespmem:s18+$0xFFFFFFF0];
	p0 =	slt.u32 s17, $0xC;
	[tilespmem:s13+$0xFFFFFFE0] =	vst v6;
	v3 =	vadd.s32 v0, v3;
	s13 =	smov.u32 s18  }
0x6b: {  	v10 =	vld [tilespmem:s18+$0x0];
	[tilespmem:s12+$0xFFFFFFE0] =	vst v3;
	v3 =	vadd.s32 v0, v4  }
.Ltmp1:
0x6c: {  	v6 =	vld [tilespmem:s18+$0xFFFFFFE0];
	[tilespmem:s12+$0xFFFFFFF0] =	vst v3;
	v4 =	vadd.s32 v0, v5;
	(pc) =	sbr.rel @p0 .LBB2_5-.Ltmp1, $4  }
0x6d: {  	v3 =	vld [tilespmem:s16+$0xFFFFFFE0];
	v5 =	vadd.s32 v0, v7;
	[tilespmem:s12+$0x0] =	vst v4;
	s12 =	smov.u32 s16  }
0x6e: {  	v7 =	vadd.s32 v0, v9;
	v4 =	vld [tilespmem:s16+$0xFFFFFFF0];
	[tilespmem:s16+$0x10] =	vst v5  }
0x6f: {  	s16 =	sadd.s32 $0x40, s16;
	v8 =	vadd.s32 v0, v8;
	[tilespmem:s18+$0x10] =	vst v7;
	v5 =	vld [tilespmem:s12+$0x0]  }
0x70: {  	s18 =	sadd.s32 $0x40, s18;
	[tilespmem:s13+$0xFFFFFFF0] =	vst v8;
	v8 =	vadd.s32 v0, v10;
	v7 =	vld [tilespmem:s16+$0x10]  }
0x71: {  	v6 =	vadd.s32 v0, v6  }
0x72: {  	[tilespmem:s13+$0xFFFFFFE0] =	vst v6  }
0x73: {  	v6 =	vld [tilespmem:s16+$0xFFFFFFE0]  }
0x74: {  	[tilespmem:s13+$0x0] =	vst v8;
	v8 =	vld [tilespmem:s16+$0xFFFFFFF0];
	v3 =	vadd.s32 v0, v3  }
0x75: {  	[tilespmem:s12+$0xFFFFFFE0] =	vst v3;
	v3 =	vadd.s32 v0, v4;
	v4 =	vld [tilespmem:s16+$0x0]  }
0x76: {  	[tilespmem:s12+$0xFFFFFFF0] =	vst v3;
	v3 =	vadd.s32 v0, v5  }
0x77: {  	v5 =	vadd.s32 v0, v7;
	[tilespmem:s12+$0x0] =	vst v3  }
0x78: {  	[tilespmem:s16+$0x10] =	vst v5;
	v3 =	vadd.s32 v0, v6  }
0x79: {  	[tilespmem:s16+$0xFFFFFFE0] =	vst v3;
	v3 =	vadd.s32 v0, v8  }
0x7a: {  	[tilespmem:s16+$0xFFFFFFF0] =	vst v3;
	v3 =	vadd.s32 v0, v4  }
0x7b: {  	[tilespmem:s16+$0x0] =	vst v3  }
0x7c: {  	[tilespmem:s29], [sflag:$0x2] =	stream.indirect.gather [spmem:s2], $0x20, s25, s21, $0xb8;
	[tilespmem:$0x19410] =	vst v63  }
0x7d: {  	_ = 	snop  }
0x7e: {  	[tilespmem:s30], [sflag:$0x2] =	stream.indirect.gather [spmem:s4], $0x20, s26, s21, $0xb8;
	[tilespmem:$0x19410] =	vst v63  }
0x7f: {  	_ =	swait.ge [sflag:s31], $0x2000  }
0x80: {  	[sflag:s31] =	ssyncset.done $0x0  }
0x81: {  	p0 =	sne.s32 s9, $0x3F;
	s12 =	sshll.u32 s9, $0x9;
	[sflag:s31] =	ssyncadd.s32 $0xFFFFE000  }
0x82: {  	s13 =	sadd.s32 @p0 s12, s14;
	_ =	swait.ge [sflag:s31], $0x2000  }
0x83: {  	s13 =	sshrl.u32 @p0 s13, $0x3;
	[sflag:s31] =	ssyncset.done $0x0  }
0x84: {  	s17 =	simm.s32 @p0 $0x0;
	s16 =	sadd.s32 @p0 s1, s13;
	[sflag:s31] =	ssyncadd.s32 $0xFFFFE000  }
0x85: {  	[tilespmem:s17], [sflag:$0x3] =	stream.linear.gather @p0 [hbm4b:s16+s17], $0x100, $0x38;
	[tilespmem:$0x19410] =	vst v63  }
0x86: {  	s13 =	sadd.s32 @p0 s6, s13;
	s16 =	simm.s32 @p0 $0x100  }
0x87: {  	[tilespmem:s16], [sflag:$0x3] =	stream.linear.gather @p0 [hbm4b:s13+s17], $0x100, $0x38;
	[tilespmem:$0x19410] =	vst v63  }
0x88: {  	s13 =	simm.s32 $0x500  }
0x89: {  	s16 =	simm.s32 $0x2500;
	v6 =	vld [tilespmem:s13+$0xE0]  }
0x8a: {  	v7 =	vld [tilespmem:s16+$0xE0]  }
0x8b: {  	v8 =	vld [tilespmem:s13+$0xF0]  }
0x8c: {  	v9 =	vld [tilespmem:s16+$0xF0]  }
0x8d: {  	v3 =	vld [tilespmem:s16+$0xFFFFFF00]  }
0x8e: {  	v4 =	vld [tilespmem:s13+$0xFFFFFF10]  }
0x8f: {  	v5 =	vld [tilespmem:s16+$0xFFFFFF10]  }
0x90: {  	v10 =	vld [tilespmem:s13+$0xFFFFFF20]  }
0x91: {  	v11 =	vld [tilespmem:s16+$0xFFFFFF20]  }
0x92: {  	v12 =	vld [tilespmem:s13+$0xFFFFFF30]  }
0x93: {  	v13 =	vld [tilespmem:s16+$0xFFFFFF30]  }
0x94: {  	v14 =	vld [tilespmem:s13+$0xFFFFFF40]  }
0x95: {  	v15 =	vld [tilespmem:s16+$0xFFFFFF40]  }
0x96: {  	v16 =	vld [tilespmem:s13+$0xFFFFFF50]  }
0x97: {  	v17 =	vld [tilespmem:s16+$0xFFFFFF50]  }
0x98: {  	v18 =	vld [tilespmem:s13+$0xFFFFFF60]  }
0x99: {  	v19 =	vld [tilespmem:s16+$0xFFFFFF60]  }
0x9a: {  	v20 =	vld [tilespmem:s13+$0xFFFFFF70]  }
0x9b: {  	v21 =	vld [tilespmem:s16+$0xFFFFFF70]  }
0x9c: {  	v22 =	vld [tilespmem:s13+$0xFFFFFF80]  }
0x9d: {  	v23 =	vld [tilespmem:s16+$0xFFFFFF80]  }
0x9e: {  	v24 =	vld [tilespmem:s13+$0xFFFFFF90]  }
0x9f: {  	v25 =	vld [tilespmem:s16+$0xFFFFFF90]  }
0xa0: {  	v26 =	vld [tilespmem:s13+$0xFFFFFFA0]  }
0xa1: {  	v27 =	vld [tilespmem:s16+$0xFFFFFFA0]  }
0xa2: {  	v28 =	vld [tilespmem:s13+$0xFFFFFFB0]  }
0xa3: {  	v29 =	vld [tilespmem:s16+$0xFFFFFFB0]  }
0xa4: {  	v30 =	vld [tilespmem:s13+$0xFFFFFFC0]  }
0xa5: {  	v31 =	vld [tilespmem:s16+$0xFFFFFFC0]  }
0xa6: {  	v32 =	vld [tilespmem:s13+$0xFFFFFFD0]  }
0xa7: {  	v33 =	vld [tilespmem:s16+$0xFFFFFFD0]  }
0xa8: {  	v34 =	vld [tilespmem:s13+$0xFFFFFFE0]  }
0xa9: {  	v35 =	vld [tilespmem:s16+$0xFFFFFFE0]  }
0xaa: {  	v36 =	vld [tilespmem:s13+$0xFFFFFFF0]  }
0xab: {  	v37 =	vld [tilespmem:s16+$0xFFFFFFF0]  }
0xac: {  	v38 =	vld [tilespmem:s13+$0x0]  }
0xad: {  	v39 =	vld [tilespmem:s16+$0x0]  }
0xae: {  	v40 =	vld [tilespmem:s13+$0x10]  }
0xaf: {  	v41 =	vld [tilespmem:s16+$0x10]  }
0xb0: {  	v42 =	vld [tilespmem:s13+$0x20]  }
0xb1: {  	v43 =	vld [tilespmem:s16+$0x20]  }
0xb2: {  	v44 =	vld [tilespmem:s13+$0x30]  }
0xb3: {  	v45 =	vld [tilespmem:s16+$0x30]  }
0xb4: {  	v46 =	vld [tilespmem:s13+$0x40];
	v6 =	vmul.f32 v7, v6  }
0xb5: {  	s18 =	simm.s32 $0xF;
	v60 =	vld [tilespmem:s16+$0x70];
	v7 =	vmul.f32 v9, v8;
	v9 =	vmul.f32 v11, v10  }
0xb6: {  	v63 =	vld [tilespmem:s13+$0x80];
	v10 =	vadd.s32 s18, v1;
	v11 =	vmul.f32 v13, v12;
	v13 =	vmul.f32 v15, v14  }
0xb7: {  	s20 =	simm.s32 $0x1;
	v48 =	vld [tilespmem:s16+$0x80];
	v14 =	vmul.f32 v17, v16;
	v56 =	vmul.f32 v19, v18  }
0xb8: {  	v49 =	vld [tilespmem:s13+$0x90];
	v58 =	vmul.f32 v21, v20;
	v6 =	vadd.f32 v7, v6;
	v7 =	vadd.s32 s20, v1  }
0xb9: {  	v8 =	vld [tilespmem:s16+$0x40];
	s18 =	simm.s32 $0x2;
	v59 =	vmul.f32 v25, v24;
	v61 =	vmul.f32 v27, v26  }
0xba: {  	v52 =	vld [tilespmem:s16+$0x90];
	v62 =	vmul.f32 v29, v28;
	v9 =	vadd.f32 v11, v9;
	v11 =	vadd.s32 s18, v1;
	s18 =	simm.s32 $0x4  }
0xbb: {  	v53 =	vld [tilespmem:s13+$0xA0];
	v47 =	vmul.f32 v33, v32;
	v50 =	vmul.f32 v35, v34;
	s20 =	simm.s32 $0x3;
	[tilespmem:v10+s0+$0x0] =	vst.idx.msk $0xffff, v6;
	v10 =	vadd.s32 s18, v1  }
0xbc: {  	v12 =	vld [tilespmem:s13+$0x50];
	v54 =	vmul.f32 v39, v38;
	v57 =	vadd.s32 s20, v1;
	s20 =	simm.s32 $0x5;
	v6 =	vmul.f32 v23, v22  }
0xbd: {  	v15 =	vld [tilespmem:s16+$0x50];
	v55 =	vmul.f32 v41, v40;
	v13 =	vadd.f32 v14, v13;
	[tilespmem:v7+s0+$0x0] =	vst.idx.msk $0xffff, v9;
	v9 =	vadd.s32 s20, v1  }
0xbe: {  	v16 =	vld [tilespmem:s13+$0x60];
	v17 =	vadd.f32 v58, v56;
	s18 =	simm.s32 $0x6;
	v8 =	vmul.f32 v8, v46;
	v6 =	vadd.f32 v59, v6;
	s20 =	simm.s32 $0x8  }
0xbf: {  	v20 =	vld [tilespmem:s13+$0x70];
	v7 =	vmul.f32 v31, v30;
	[tilespmem:v11+s0+$0x0] =	vst.idx.msk $0xffff, v13;
	v13 =	vadd.s32 s18, v1;
	s18 =	simm.s32 $0x7;
	v51 =	vadd.s32 s20, v1  }
0xc0: {  	v14 =	vld [tilespmem:s16+$0x60];
	v11 =	vadd.f32 v62, v61;
	v18 =	vand.u32 $0x1FF8, v51;
	[tilespmem:v10+s0+$0x0] =	vst.idx.msk $0xffff, v6;
	v6 =	vadd.s32 s18, v1  }
0xc1: {  	v56 =	vld [tilespmem:s16+$0xA0];
	[tilespmem:v57+s0+$0x0] =	vst.idx.msk $0xffff, v17;
	s20 =	simm.s32 $0x9;
	v10 =	vmul.f32 v37, v36;
	v18 =	vor.u32 v2, v18  }
0xc2: {  	v58 =	vld [tilespmem:s13+$0xB0];
	v12 =	vmul.f32 v15, v12;
	v7 =	vadd.f32 v47, v7;
	[tilespmem:v9+s0+$0x0] =	vst.idx.msk $0xffff, v11;
	v11 =	vadd.s32 s20, v1  }
0xc3: {  	v15 =	vld [tilespmem:s16+$0xB0];
	v57 =	vmul.f32 v45, v44;
	s18 =	simm.s32 $0xA;
	v9 =	vmul.f32 v43, v42;
	v10 =	vadd.f32 v10, v50  }
0xc4: {  	v59 =	vld [tilespmem:s13+$0xC0];
	[tilespmem:v13+s0+$0x0] =	vst.idx.msk $0xffff, v7;
	v7 =	vadd.f32 v55, v54;
	v13 =	vadd.s32 s18, v1;
	s20 =	simm.s32 $0xB  }
0xc5: {  	v8 =	vadd.f32 v12, v8;
	v12 =	vld [tilespmem:s16+$0xC0];
	s18 =	simm.s32 $0xC;
	[tilespmem:v6+s0+$0x0] =	vst.idx.msk $0xffff, v10;
	v6 =	vadd.f32 v57, v9;
	v9 =	vadd.s32 s20, v1  }
0xc6: {  	v62 =	vld [tilespmem:s16+$0xD0];
	[tilespmem:v18+s0+$0x0] =	vst.idx.msk $0xffff, v7;
	v7 =	vmul.f32 v14, v16;
	v10 =	vmul.f32 v60, v20;
	v14 =	vadd.s32 s18, v1;
	s20 =	simm.s32 $0xD  }
0xc7: {  	v60 =	vld [tilespmem:s13+$0xD0];
	v61 =	vadd.s32 s20, v1;
	[tilespmem:v11+s0+$0x0] =	vst.idx.msk $0xffff, v6;
	v6 =	vmul.f32 v48, v63;
	v11 =	vmul.f32 v52, v49  }
0xc8: {  	s16 =	simm.s32 $0x700;
	v15 =	vmul.f32 v15, v58;
	v7 =	vadd.f32 v10, v7;
	v63 =	vmul.f32 v56, v53;
	v10 =	vld [tilespmem:s13+$0xFFFFFF00]  }
0xc9: {  	s17 =	simm.s32 $0x2700;
	[tilespmem:v13+s0+$0x0] =	vst.idx.msk $0xffff, v8;
	v8 =	vld [tilespmem:s16+$0xE0];
	v6 =	vadd.f32 v11, v6  }
0xca: {  	s18 =	simm.s32 $0xE;
	v13 =	vld [tilespmem:s17+$0xF0];
	v15 =	vadd.f32 v15, v63;
	[tilespmem:v9+s0+$0x0] =	vst.idx.msk $0xffff, v7  }
0xcb: {  	v4 =	vmul.f32 v5, v4;
	s20 =	simm.s32 $0x0;
	v11 =	vld [tilespmem:s16+$0xF0];
	v7 =	vadd.s32 s18, v1;
	[tilespmem:v14+s0+$0x0] =	vst.idx.msk $0xffff, v6  }
0xcc: {  	v12 =	vmul.f32 v12, v59;
	s13 =	simm.s32 $0x10;
	v9 =	vld [tilespmem:s17+$0xE0];
	s18 =	simm.s32 $0x20;
	v6 =	vor.u32 s20, v1;
	[tilespmem:v61+s0+$0x0] =	vst.idx.msk $0xffff, v15;
	v14 =	vmul.f32 v62, v60  }
.LBB2_7:
0xcd: {  	p0 =	slt.u32 s18, $0xF0;
	v5 =	vmul.f32 v3, v10;
	v3 =	vld [tilespmem:s17+$0xFFFFFF00]  }
0xce: {  	v10 =	vld [tilespmem:s16+$0xFFFFFF10];
	v12 =	vadd.f32 v14, v12  }
0xcf: {  	s20 =	sadd.s32 $0xF, s13;
	v14 =	vld [tilespmem:s17+$0xFFFFFF10];
	v4 =	vadd.f32 v4, v5  }
0xd0: {  	v15 =	vadd.s32 s20, v1;
	v5 =	vld [tilespmem:s16+$0xFFFFFF20];
	[tilespmem:v7+s0+$0x0] =	vst.idx.msk $0xffff, v12  }
0xd1: {  	v8 =	vmul.f32 v9, v8;
	v7 =	vld [tilespmem:s17+$0xFFFFFF20];
	v9 =	vmul.f32 v13, v11;
	[tilespmem:v6+s0+$0x0] =	vst.idx.msk $0xffff, v4  }
0xd2: {  	v6 =	vld [tilespmem:s16+$0xFFFFFF30]  }
0xd3: {  	v11 =	vld [tilespmem:s17+$0xFFFFFF30];
	v8 =	vadd.f32 v9, v8  }
0xd4: {  	v4 =	vmul.f32 v14, v10;
	v9 =	vld [tilespmem:s16+$0xFFFFFF40]  }
0xd5: {  	v10 =	vld [tilespmem:s17+$0xFFFFFF40];
	[tilespmem:v15+s0+$0x0] =	vst.idx.msk $0xffff, v8  }
0xd6: {  	s20 =	sadd.s32 $0x1, s13;
	v5 =	vmul.f32 v7, v5;
	v7 =	vld [tilespmem:s16+$0xFFFFFF50]  }
0xd7: {  	v8 =	vadd.s32 s20, v1;
	v12 =	vld [tilespmem:s17+$0xFFFFFF50]  }
0xd8: {  	v6 =	vmul.f32 v11, v6;
	v11 =	vld [tilespmem:s16+$0xFFFFFF60]  }
0xd9: {  	v13 =	vld [tilespmem:s17+$0xFFFFFF60]  }
0xda: {  	s20 =	sadd.s32 $0x2, s13;
	v5 =	vadd.f32 v6, v5;
	v6 =	vmul.f32 v10, v9;
	v9 =	vld [tilespmem:s16+$0xFFFFFF70]  }
0xdb: {  	v10 =	vadd.s32 s20, v1;
	v14 =	vld [tilespmem:s17+$0xFFFFFF70]  }
0xdc: {  	[tilespmem:v8+s0+$0x0] =	vst.idx.msk $0xffff, v5;
	v5 =	vmul.f32 v12, v7;
	v7 =	vld [tilespmem:s16+$0xFFFFFF80]  }
0xdd: {  	v8 =	vld [tilespmem:s17+$0xFFFFFF80]  }
0xde: {  	s20 =	sadd.s32 $0x3, s13;
	v5 =	vadd.f32 v5, v6;
	v6 =	vmul.f32 v13, v11;
	v11 =	vld [tilespmem:s16+$0xFFFFFF90]  }
0xdf: {  	v12 =	vadd.s32 s20, v1;
	v13 =	vld [tilespmem:s17+$0xFFFFFF90]  }
0xe0: {  	[tilespmem:v10+s0+$0x0] =	vst.idx.msk $0xffff, v5;
	v5 =	vmul.f32 v14, v9;
	v9 =	vld [tilespmem:s16+$0xFFFFFFA0]  }
0xe1: {  	v10 =	vld [tilespmem:s17+$0xFFFFFFA0]  }
0xe2: {  	s20 =	sadd.s32 $0x4, s13;
	v5 =	vadd.f32 v5, v6;
	v6 =	vmul.f32 v8, v7;
	v7 =	vld [tilespmem:s16+$0xFFFFFFB0]  }
0xe3: {  	v8 =	vadd.s32 s20, v1;
	v14 =	vld [tilespmem:s17+$0xFFFFFFB0]  }
0xe4: {  	[tilespmem:v12+s0+$0x0] =	vst.idx.msk $0xffff, v5;
	v5 =	vmul.f32 v13, v11;
	v11 =	vld [tilespmem:s16+$0xFFFFFFC0]  }
0xe5: {  	v12 =	vld [tilespmem:s17+$0xFFFFFFC0]  }
0xe6: {  	s20 =	sadd.s32 $0x5, s13;
	v5 =	vadd.f32 v5, v6;
	v6 =	vmul.f32 v10, v9;
	v9 =	vld [tilespmem:s16+$0xFFFFFFD0]  }
0xe7: {  	v10 =	vadd.s32 s20, v1;
	v13 =	vld [tilespmem:s17+$0xFFFFFFD0]  }
0xe8: {  	[tilespmem:v8+s0+$0x0] =	vst.idx.msk $0xffff, v5;
	v5 =	vmul.f32 v14, v7;
	v7 =	vld [tilespmem:s16+$0xFFFFFFE0]  }
0xe9: {  	v8 =	vld [tilespmem:s17+$0xFFFFFFE0]  }
0xea: {  	s20 =	sadd.s32 $0x6, s13;
	v5 =	vadd.f32 v5, v6;
	v6 =	vmul.f32 v12, v11;
	v11 =	vld [tilespmem:s16+$0xFFFFFFF0]  }
0xeb: {  	v12 =	vadd.s32 s20, v1;
	v14 =	vld [tilespmem:s17+$0xFFFFFFF0]  }
0xec: {  	[tilespmem:v10+s0+$0x0] =	vst.idx.msk $0xffff, v5;
	v5 =	vmul.f32 v13, v9;
	v9 =	vld [tilespmem:s16+$0x0]  }
0xed: {  	v10 =	vld [tilespmem:s17+$0x0]  }
0xee: {  	s20 =	sadd.s32 $0x7, s13;
	v5 =	vadd.f32 v5, v6;
	v6 =	vmul.f32 v8, v7;
	v7 =	vld [tilespmem:s16+$0x10]  }
0xef: {  	v8 =	vadd.s32 s20, v1;
	v13 =	vld [tilespmem:s17+$0x10]  }
0xf0: {  	s20 =	sadd.s32 $0x8, s13;
	[tilespmem:v12+s0+$0x0] =	vst.idx.msk $0xffff, v5;
	v5 =	vmul.f32 v14, v11;
	v11 =	vld [tilespmem:s16+$0x20]  }
0xf1: {  	v12 =	vadd.s32 s20, v1;
	v14 =	vld [tilespmem:s17+$0x20]  }
0xf2: {  	v5 =	vadd.f32 v5, v6;
	v6 =	vmul.f32 v10, v9;
	v9 =	vand.u32 $0x1FF8, v12;
	v10 =	vld [tilespmem:s16+$0x30]  }
0xf3: {  	v9 =	vor.u32 v2, v9;
	v12 =	vld [tilespmem:s17+$0x30]  }
0xf4: {  	[tilespmem:v8+s0+$0x0] =	vst.idx.msk $0xffff, v5;
	v5 =	vmul.f32 v13, v7;
	v7 =	vld [tilespmem:s16+$0x40]  }
0xf5: {  	v8 =	vld [tilespmem:s17+$0x40]  }
0xf6: {  	s20 =	sadd.s32 $0x9, s13;
	v5 =	vadd.f32 v5, v6;
	v6 =	vmul.f32 v14, v11;
	v11 =	vld [tilespmem:s16+$0x50]  }
0xf7: {  	v13 =	vadd.s32 s20, v1;
	v14 =	vld [tilespmem:s17+$0x50]  }
0xf8: {  	[tilespmem:v9+s0+$0x0] =	vst.idx.msk $0xffff, v5;
	v5 =	vmul.f32 v12, v10;
	v9 =	vld [tilespmem:s16+$0x60]  }
0xf9: {  	v10 =	vld [tilespmem:s17+$0x60]  }
0xfa: {  	s20 =	sadd.s32 $0xA, s13;
	v5 =	vadd.f32 v5, v6;
	v6 =	vmul.f32 v8, v7;
	v7 =	vld [tilespmem:s16+$0x70]  }
0xfb: {  	v8 =	vadd.s32 s20, v1;
	v12 =	vld [tilespmem:s17+$0x70]  }
0xfc: {  	[tilespmem:v13+s0+$0x0] =	vst.idx.msk $0xffff, v5;
	v5 =	vmul.f32 v14, v11;
	v11 =	vld [tilespmem:s16+$0x80]  }
0xfd: {  	v13 =	vld [tilespmem:s17+$0x80]  }
0xfe: {  	s20 =	sadd.s32 $0xB, s13;
	v5 =	vadd.f32 v5, v6;
	v6 =	vmul.f32 v10, v9;
	v9 =	vld [tilespmem:s16+$0x90]  }
0xff: {  	v10 =	vadd.s32 s20, v1;
	v14 =	vld [tilespmem:s17+$0x90]  }
0x100: {  	[tilespmem:v8+s0+$0x0] =	vst.idx.msk $0xffff, v5;
	v5 =	vmul.f32 v12, v7;
	v7 =	vld [tilespmem:s16+$0xA0]  }
0x101: {  	v8 =	vld [tilespmem:s17+$0xA0]  }
0x102: {  	s20 =	sadd.s32 $0xC, s13;
	v5 =	vadd.f32 v5, v6;
	v6 =	vmul.f32 v13, v11;
	v11 =	vld [tilespmem:s16+$0xB0]  }
0x103: {  	v12 =	vadd.s32 s20, v1;
	v13 =	vld [tilespmem:s17+$0xB0]  }
0x104: {  	[tilespmem:v10+s0+$0x0] =	vst.idx.msk $0xffff, v5;
	v5 =	vmul.f32 v14, v9;
	v14 =	vld [tilespmem:s16+$0xC0]  }
0x105: {  	v15 =	vld [tilespmem:s17+$0xC0]  }
0x106: {  	s20 =	sadd.s32 $0xD, s13;
	v5 =	vadd.f32 v5, v6;
	v6 =	vmul.f32 v8, v7;
	v16 =	vld [tilespmem:s16+$0xD0]  }
0x107: {  	v17 =	vadd.s32 s20, v1;
	v18 =	vld [tilespmem:s17+$0xD0]  }
.Ltmp2:
0x108: {  	v10 =	vld [tilespmem:s16+$0xFFFFFF00];
	[tilespmem:v12+s0+$0x0] =	vst.idx.msk $0xffff, v5;
	v5 =	vmul.f32 v13, v11;
	s16 =	sadd.s32 $0x200, s16;
	(pc) =	sbr.rel @p0 .LBB2_7-.Ltmp2, $4  }
0x109: {  	s17 =	sadd.s32 $0x200, s17;
	v8 =	vld [tilespmem:s16+$0xE0]  }
0x10a: {  	s20 =	sadd.s32 $0xE, s13;
	v9 =	vld [tilespmem:s17+$0xE0];
	v5 =	vadd.f32 v5, v6;
	v12 =	vmul.f32 v15, v14  }
0x10b: {  	v7 =	vadd.s32 s20, v1;
	v11 =	vld [tilespmem:s16+$0xF0]  }
0x10c: {  	v6 =	vor.u32 s13, v1;
	s13 =	smov.u32 s18;
	s18 =	sadd.s32 $0x10, s18;
	v13 =	vld [tilespmem:s17+$0xF0];
	[tilespmem:v17+s0+$0x0] =	vst.idx.msk $0xffff, v5;
	v14 =	vmul.f32 v18, v16  }
0x10d: {  	v5 =	vld [tilespmem:s17+$0xFFFFFF00]  }
0x10e: {  	v15 =	vld [tilespmem:s16+$0xFFFFFF10]  }
0x10f: {  	v16 =	vld [tilespmem:s17+$0xFFFFFF10]  }
0x110: {  	v17 =	vld [tilespmem:s16+$0xFFFFFF20]  }
0x111: {  	v18 =	vld [tilespmem:s17+$0xFFFFFF20]  }
0x112: {  	v19 =	vld [tilespmem:s16+$0xFFFFFF30]  }
0x113: {  	v20 =	vld [tilespmem:s17+$0xFFFFFF30]  }
0x114: {  	v21 =	vld [tilespmem:s16+$0xFFFFFF40]  }
0x115: {  	v22 =	vld [tilespmem:s17+$0xFFFFFF40]  }
0x116: {  	v23 =	vld [tilespmem:s16+$0xFFFFFF50]  }
0x117: {  	v24 =	vld [tilespmem:s17+$0xFFFFFF50]  }
0x118: {  	v25 =	vld [tilespmem:s16+$0xFFFFFF60]  }
0x119: {  	v26 =	vld [tilespmem:s17+$0xFFFFFF60]  }
0x11a: {  	v27 =	vld [tilespmem:s16+$0xFFFFFF70]  }
0x11b: {  	v28 =	vld [tilespmem:s17+$0xFFFFFF70]  }
0x11c: {  	v29 =	vld [tilespmem:s16+$0xFFFFFF80]  }
0x11d: {  	v30 =	vld [tilespmem:s17+$0xFFFFFF80]  }
0x11e: {  	v31 =	vld [tilespmem:s16+$0xFFFFFF90]  }
0x11f: {  	v32 =	vld [tilespmem:s17+$0xFFFFFF90]  }
0x120: {  	v33 =	vld [tilespmem:s16+$0xFFFFFFA0]  }
0x121: {  	v34 =	vld [tilespmem:s17+$0xFFFFFFA0]  }
0x122: {  	v35 =	vld [tilespmem:s16+$0xFFFFFFB0]  }
0x123: {  	v36 =	vld [tilespmem:s17+$0xFFFFFFB0]  }
0x124: {  	v37 =	vld [tilespmem:s16+$0xFFFFFFC0]  }
0x125: {  	v38 =	vld [tilespmem:s17+$0xFFFFFFC0]  }
0x126: {  	v39 =	vld [tilespmem:s16+$0xFFFFFFD0]  }
0x127: {  	v40 =	vld [tilespmem:s17+$0xFFFFFFD0]  }
0x128: {  	v41 =	vld [tilespmem:s16+$0xFFFFFFE0]  }
0x129: {  	v42 =	vld [tilespmem:s17+$0xFFFFFFE0]  }
0x12a: {  	v43 =	vld [tilespmem:s16+$0xFFFFFFF0]  }
0x12b: {  	v44 =	vld [tilespmem:s17+$0xFFFFFFF0]  }
0x12c: {  	v45 =	vld [tilespmem:s16+$0x0]  }
0x12d: {  	v46 =	vld [tilespmem:s17+$0x0]  }
0x12e: {  	v47 =	vld [tilespmem:s16+$0x10]  }
0x12f: {  	v48 =	vld [tilespmem:s17+$0x10]  }
0x130: {  	v49 =	vld [tilespmem:s16+$0x20]  }
0x131: {  	v50 =	vld [tilespmem:s17+$0x20]  }
0x132: {  	v51 =	vld [tilespmem:s16+$0x30]  }
0x133: {  	v52 =	vld [tilespmem:s17+$0x30]  }
0x134: {  	v53 =	vld [tilespmem:s16+$0x40]  }
0x135: {  	v54 =	vld [tilespmem:s17+$0x40]  }
0x136: {  	v3 =	vmul.f32 v3, v10;
	v10 =	vld [tilespmem:s16+$0x50]  }
0x137: {  	v56 =	vld [tilespmem:s17+$0x90];
	v8 =	vmul.f32 v9, v8;
	v9 =	vmul.f32 v13, v11  }
0x138: {  	v11 =	vld [tilespmem:s17+$0x50];
	v13 =	vmul.f32 v18, v17;
	v57 =	vmul.f32 v20, v19  }
0x139: {  	v12 =	vadd.f32 v14, v12;
	v18 =	vld [tilespmem:s16+$0x60];
	v14 =	vmul.f32 v22, v21;
	v58 =	vmul.f32 v24, v23  }
0x13a: {  	s18 =	sadd.s32 $0xF, s13;
	v3 =	vadd.f32 v4, v3;
	v20 =	vld [tilespmem:s17+$0x60];
	v4 =	vmul.f32 v26, v25;
	v59 =	vmul.f32 v28, v27  }
0x13b: {  	s20 =	sadd.s32 $0x1, s13;
	v60 =	vadd.s32 s18, v1;
	v22 =	vld [tilespmem:s16+$0x70];
	v61 =	vmul.f32 v30, v29;
	v63 =	vmul.f32 v32, v31  }
0x13c: {  	v62 =	vadd.s32 s20, v1;
	s18 =	sadd.s32 $0x4, s13;
	[tilespmem:v7+s0+$0x0] =	vst.idx.msk $0xffff, v12;
	v17 =	vld [tilespmem:s16+$0x80];
	v33 =	vmul.f32 v34, v33;
	v36 =	vmul.f32 v36, v35  }
0x13d: {  	s20 =	sadd.s32 $0x2, s13;
	[tilespmem:v6+s0+$0x0] =	vst.idx.msk $0xffff, v3;
	v3 =	vadd.s32 s18, v1;
	v24 =	vld [tilespmem:s17+$0x80];
	v7 =	vmul.f32 v38, v37;
	v55 =	vmul.f32 v40, v39  }
0x13e: {  	v34 =	vadd.s32 s20, v1;
	s20 =	sadd.s32 $0x3, s13;
	v28 =	vld [tilespmem:s16+$0x90];
	v39 =	vmul.f32 v50, v49;
	v40 =	vmul.f32 v52, v51  }
0x13f: {  	v37 =	vld [tilespmem:s17+$0xB0];
	v8 =	vadd.f32 v9, v8;
	v12 =	vadd.s32 s20, v1;
	v13 =	vadd.f32 v57, v13  }
0x140: {  	v38 =	vld [tilespmem:s16+$0xC0];
	v9 =	vmul.f32 v16, v15;
	s20 =	sadd.s32 $0x5, s13;
	v14 =	vadd.f32 v58, v14;
	v4 =	vadd.f32 v59, v4  }
0x141: {  	v15 =	vld [tilespmem:s17+$0x70];
	v6 =	vadd.f32 v63, v61;
	v57 =	vadd.s32 s20, v1;
	s20 =	sadd.s32 $0x6, s13;
	v7 =	vadd.f32 v55, v7;
	[tilespmem:v60+s0+$0x0] =	vst.idx.msk $0xffff, v8  }
0x142: {  	v58 =	vld [tilespmem:s16+$0xA0];
	v61 =	vmul.f32 v44, v43;
	v8 =	vadd.f32 v36, v33;
	v59 =	vadd.s32 s20, v1;
	s20 =	sadd.s32 $0x8, s13;
	[tilespmem:v62+s0+$0x0] =	vst.idx.msk $0xffff, v13  }
0x143: {  	v63 =	vld [tilespmem:s16+$0xB0];
	v36 =	vmul.f32 v48, v47;
	v13 =	vmul.f32 v42, v41;
	v62 =	vadd.s32 s20, v1;
	s20 =	sadd.s32 $0x7, s13;
	[tilespmem:v3+s0+$0x0] =	vst.idx.msk $0xffff, v6  }
0x144: {  	v10 =	vmul.f32 v11, v10;
	v11 =	vld [tilespmem:s16+$0xD0];
	v35 =	vand.u32 $0x1FF8, v62;
	[tilespmem:v12+s0+$0x0] =	vst.idx.msk $0xffff, v4;
	v4 =	vadd.s32 s20, v1  }
0x145: {  	v6 =	vmul.f32 v54, v53;
	v42 =	vld [tilespmem:s17+$0xD0];
	v12 =	vadd.f32 v61, v13;
	v13 =	vor.u32 v2, v35;
	s20 =	sadd.s32 $0x9, s13  }
0x146: {  	v60 =	vld [tilespmem:s17+$0xA0];
	[tilespmem:v34+s0+$0x0] =	vst.idx.msk $0xffff, v14;
	v14 =	vmul.f32 v46, v45;
	v18 =	vmul.f32 v20, v18;
	v3 =	vadd.s32 s20, v1;
	s20 =	sadd.s32 $0xA, s13  }
0x147: {  	v41 =	vld [tilespmem:s17+$0xC0];
	v43 =	vmul.f32 v24, v17;
	v44 =	vmul.f32 v56, v28;
	[tilespmem:v57+s0+$0x0] =	vst.idx.msk $0xffff, v8;
	v8 =	vadd.s32 s20, v1;
	s20 =	sadd.s32 $0xB, s13  }
0x148: {  	v45 =	vld [tilespmem:s16+$0xFFFFFF00];
	v15 =	vmul.f32 v15, v22;
	v14 =	vadd.f32 v36, v14;
	[tilespmem:v59+s0+$0x0] =	vst.idx.msk $0xffff, v7;
	v7 =	vadd.s32 s20, v1;
	s20 =	sadd.s32 $0xC, s13  }
0x149: {  	s17 =	sadd.s32 $0xD, s13;
	v6 =	vadd.f32 v10, v6;
	v10 =	vadd.s32 s20, v1;
	[tilespmem:v4+s0+$0x0] =	vst.idx.msk $0xffff, v12;
	v4 =	vadd.f32 v40, v39  }
0x14a: {  	s18 =	sadd.s32 $0xE, s13;
	v11 =	vmul.f32 v42, v11;
	[tilespmem:v13+s0+$0x0] =	vst.idx.msk $0xffff, v14;
	v12 =	vadd.f32 v15, v18;
	v14 =	vadd.s32 s17, v1  }
0x14b: {  	v15 =	vadd.s32 s18, v1;
	[tilespmem:v3+s0+$0x0] =	vst.idx.msk $0xffff, v4;
	v3 =	vmul.f32 v60, v58;
	v4 =	vmul.f32 v37, v63  }
0x14c: {  	v13 =	vadd.f32 v44, v43;
	[tilespmem:v8+s0+$0x0] =	vst.idx.msk $0xffff, v6;
	v6 =	vmul.f32 v41, v38;
	v8 =	vor.u32 s13, v1  }
0x14d: {  	[tilespmem:v7+s0+$0x0] =	vst.idx.msk $0xffff, v12;
	v3 =	vadd.f32 v4, v3;
	v4 =	vmul.f32 v5, v45  }
0x14e: {  	[tilespmem:v10+s0+$0x0] =	vst.idx.msk $0xffff, v13;
	v5 =	vadd.f32 v11, v6  }
0x14f: {  	[tilespmem:v14+s0+$0x0] =	vst.idx.msk $0xffff, v3;
	v3 =	vadd.f32 v9, v4  }
0x150: {  	[tilespmem:v15+s0+$0x0] =	vst.idx.msk $0xffff, v5  }
0x151: {  	s20 =	simm.s32 $0x8C08;
	[tilespmem:v8+s0+$0x0] =	vst.idx.msk $0xffff, v3  }
0x152: {  	v4 =	vld [tilespmem:s20+$0xFFFFF828]  }
0x153: {  	v5 =	vld [tilespmem:s20+$0xFFFFF929]  }
0x154: {  	v6 =	vld [tilespmem:s20+$0xFFFFFA2A]  }
0x155: {  	v7 =	vld [tilespmem:s20+$0xFFFFFB2B]  }
0x156: {  	v8 =	vld [tilespmem:s20+$0xFFFFFC2C]  }
0x157: {  	v9 =	vld [tilespmem:s20+$0xFFFFFD2D]  }
0x158: {  	v10 =	vld [tilespmem:s20+$0xFFFFFE2E]  }
0x159: {  	v11 =	vld [tilespmem:s20+$0xFFFFFF2F]  }
0x15a: {  	v12 =	vld [tilespmem:s20+$0x30]  }
0x15b: {  	v13 =	vld [tilespmem:s20+$0x131]  }
0x15c: {  	v14 =	vld [tilespmem:s20+$0x232]  }
0x15d: {  	v15 =	vld [tilespmem:s20+$0x333]  }
0x15e: {  	v16 =	vld [tilespmem:s20+$0x434]  }
0x15f: {  	v17 =	vld [tilespmem:s20+$0x535]  }
0x160: {  	v46 =	vld [tilespmem:s20+$0x636]  }
0x161: {  	v47 =	vld [tilespmem:s20+$0x737]  }
0x162: {  	v20 =	vld [tilespmem:s20+$0xFFFFF9FA]  }
0x163: {  	v48 =	vld [tilespmem:s20+$0xFFFFFAFB]  }
0x164: {  	v49 =	vld [tilespmem:s20+$0xFFFFFBFC]  }
0x165: {  	v50 =	vld [tilespmem:s20+$0xFFFFFCFD]  }
0x166: {  	v51 =	vld [tilespmem:s20+$0xFFFFFDFE]  }
0x167: {  	v52 =	vld [tilespmem:s20+$0xFFFFFEFF]  }
0x168: {  	v53 =	vld [tilespmem:s20+$0x0]  }
0x169: {  	v54 =	vld [tilespmem:s20+$0x101]  }
0x16a: {  	v55 =	vld [tilespmem:s20+$0x202]  }
0x16b: {  	v56 =	vld [tilespmem:s20+$0x303]  }
0x16c: {  	v57 =	vld [tilespmem:s20+$0x404]  }
0x16d: {  	v58 =	vld [tilespmem:s20+$0x505]  }
0x16e: {  	v32 =	vld [tilespmem:s20+$0x606]  }
0x16f: {  	v33 =	vld [tilespmem:s20+$0x707]  }
0x170: {  	v59 =	vld [tilespmem:s20+$0xFFFFF808]  }
0x171: {  	v60 =	vld [tilespmem:s20+$0xFFFFF909]  }
0x172: {  	v61 =	vld [tilespmem:s20+$0xFFFFFA0A]  }
0x173: {  	v62 =	vld [tilespmem:s20+$0xFFFFFB0B]  }
0x174: {  	v63 =	vld [tilespmem:s20+$0xFFFFFC0C]  }
0x175: {  	v44 =	vld [tilespmem:s20+$0xFFFFFD0D]  }
0x176: {  	v45 =	vld [tilespmem:s20+$0xFFFFFE0E]  }
0x177: {  	v4 =	vadd.f32 v5, v4;
	v5 =	vadd.f32 v7, v6;
	v6 =	vld [tilespmem:s20+$0xFFFFFF0F]  }
0x178: {  	v7 =	vadd.f32 v9, v8;
	v9 =	vld [tilespmem:s20+$0x10]  }
0x179: {  	v8 =	vadd.f32 v11, v10;
	v10 =	vadd.f32 v13, v12;
	v12 =	vld [tilespmem:s20+$0x111]  }
0x17a: {  	v11 =	vadd.f32 v15, v14;
	v15 =	vld [tilespmem:s20+$0x212]  }
0x17b: {  	v13 =	vadd.f32 v17, v16;
	v14 =	vadd.f32 v47, v46;
	v47 =	vld [tilespmem:s20+$0x717]  }
0x17c: {  	v46 =	vadd.f32 v52, v51;
	v51 =	vadd.f32 v58, v57;
	v52 =	vld [tilespmem:s20+$0xFFFFFA1A]  }
0x17d: {  	v57 =	vld [tilespmem:s20+$0xFFFFFC1C];
	v4 =	vadd.f32 v5, v4;
	v5 =	vadd.f32 v8, v7  }
0x17e: {  	v58 =	vld [tilespmem:s20+$0xFFFFFF1F];
	v8 =	vadd.f32 v11, v10;
	v10 =	vadd.f32 v14, v13  }
0x17f: {  	v7 =	vld [tilespmem:s20+$0x313];
	v14 =	vadd.f32 v50, v49;
	v49 =	vadd.f32 v54, v53  }
0x180: {  	v11 =	vld [tilespmem:s20+$0x414];
	v50 =	vadd.f32 v56, v55;
	v53 =	vadd.f32 v60, v59  }
0x181: {  	v13 =	vld [tilespmem:s20+$0x515];
	v54 =	vadd.f32 v62, v61;
	v56 =	vadd.f32 v44, v63  }
0x182: {  	v5 =	vadd.f32 v5, v4;
	v8 =	vadd.f32 v10, v8;
	v10 =	vld [tilespmem:s20+$0x616]  }
0x183: {  	v55 =	vld [tilespmem:s20+$0xFFFFFB1B];
	v4 =	vadd.f32 v48, v20;
	v6 =	vadd.f32 v6, v45  }
0x184: {  	v48 =	vld [tilespmem:s20+$0xFFFFF818];
	v9 =	vadd.f32 v12, v9;
	v8 =	vadd.f32 v8, v5  }
0x185: {  	v12 =	vld [tilespmem:s20+$0xFFFFFD1D];
	v5 =	vadd.f32 v46, v14;
	v7 =	vadd.f32 v7, v15  }
0x186: {  	v14 =	vld [tilespmem:s20+$0xFFFFF919];
	v11 =	vadd.f32 v13, v11;
	v15 =	vadd.f32 v54, v53  }
0x187: {  	v13 =	vld [tilespmem:s20+$0xFFFFFE1E];
	v6 =	vadd.f32 v6, v56;
	v10 =	vadd.f32 v47, v10  }
0x188: {  	v3 =	vld [tilespmem:s20+$0xFFFFF8F9];
	v7 =	vadd.f32 v7, v9  }
0x189: {  	v59 =	vld [tilespmem:s20+$0x222];
	v6 =	vadd.f32 v6, v15;
	v9 =	vadd.f32 v10, v11  }
0x18a: {  	v15 =	vld [tilespmem:s20+$0x121];
	v12 =	vadd.f32 v12, v57;
	v10 =	vadd.f32 v33, v32  }
0x18b: {  	v11 =	vld [tilespmem:s20+$0x20];
	v14 =	vadd.f32 v14, v48;
	v7 =	vadd.f32 v9, v7  }
0x18c: {  	p0 =	por $0x1, $0x1;
	v60 =	vld [tilespmem:s20+$0x323];
	v13 =	vadd.f32 v58, v13;
	v9 =	vadd.f32 v55, v52  }
.Ltmp3:
0x18d: {  	v61 =	vadd.f32 v10, v51;
	v10 =	vld [tilespmem:s20+$0x525];
	v6 =	vadd.f32 v7, v6;
	(pc) =	sbr.rel @!p0 .LBB2_10-.Ltmp3, $4  }
0x18e: {  	v16 =	vadd.f32 v50, v49;
	v8 =	vmul.f32 $1.767766920e-01, v8;
	v7 =	vld [tilespmem:s20+$0x424]  }
0x18f: {  	v63 =	vadd.f32 v13, v12;
	v12 =	vld [tilespmem:s20+$0x727];
	v62 =	vadd.f32 v9, v14;
	v14 =	vmul.f32 $1.767766920e-01, v6  }
0x190: {  	[tilespmem:s10+$0x10] =	vst v8;
	v9 =	vld [tilespmem:s20+$0x626];
	v11 =	vadd.f32 v15, v11;
	v6 =	vadd.f32 v61, v16  }
0x191: {  	s16 =	simm.s32 $0x0;
	s17 =	simm.s32 $0x8C48;
	s13 =	smov.u32 s10;
	v13 =	vld [tilespmem:s20+$0xFFFFF7F8];
	v8 =	vadd.f32 v63, v62;
	[tilespmem:s10+$0xFFFFFFF0] =	vst v14;
	v14 =	vadd.f32 v60, v59  }
.LBB2_9:
0x192: {  	v15 =	vld [tilespmem:s17+$0xFFFFF828]  }
0x193: {  	v16 =	vld [tilespmem:s17+$0xFFFFF929];
	v7 =	vadd.f32 v10, v7;
	v10 =	vadd.f32 v14, v11  }
0x194: {  	v11 =	vld [tilespmem:s17+$0xFFFFFA2A]  }
0x195: {  	v14 =	vld [tilespmem:s17+$0xFFFFFB2B];
	v9 =	vadd.f32 v12, v9  }
0x196: {  	v12 =	vld [tilespmem:s17+$0xFFFFFC2C];
	v3 =	vadd.f32 v3, v13  }
0x197: {  	v13 =	vld [tilespmem:s17+$0xFFFFFD2D];
	v7 =	vadd.f32 v9, v7  }
0x198: {  	v9 =	vld [tilespmem:s17+$0xFFFFFE2E];
	v3 =	vadd.f32 v4, v3  }
0x199: {  	v4 =	vld [tilespmem:s17+$0xFFFFFF2F];
	v7 =	vadd.f32 v7, v10  }
0x19a: {  	v10 =	vld [tilespmem:s17+$0x30];
	v3 =	vadd.f32 v5, v3  }
0x19b: {  	v5 =	vld [tilespmem:s17+$0x131];
	v7 =	vadd.f32 v7, v8  }
0x19c: {  	v8 =	vld [tilespmem:s17+$0x232];
	v3 =	vadd.f32 v6, v3  }
0x19d: {  	v6 =	vld [tilespmem:s17+$0x333];
	v7 =	vmul.f32 $1.767766920e-01, v7  }
0x19e: {  	v17 =	vld [tilespmem:s17+$0x434];
	v3 =	vmul.f32 $1.767766920e-01, v3  }
0x19f: {  	v18 =	vld [tilespmem:s17+$0x535];
	[tilespmem:s13+$0x0] =	vst v7  }
0x1a0: {  	v7 =	vld [tilespmem:s17+$0x636];
	[tilespmem:s13+$0xFFFFFFE0] =	vst v3  }
0x1a1: {  	s16 =	sadd.s32 $0x4, s16;
	v19 =	vld [tilespmem:s17+$0x737]  }
0x1a2: {  	p0 =	slt.u32 s16, $0xC;
	v3 =	vld [tilespmem:s17+$0xFFFFF8F9]  }
0x1a3: {  	v15 =	vadd.f32 v16, v15;
	v11 =	vadd.f32 v14, v11;
	v20 =	vld [tilespmem:s17+$0xFFFFF9FA]  }
0x1a4: {  	v12 =	vadd.f32 v13, v12;
	v4 =	vadd.f32 v4, v9;
	v14 =	vld [tilespmem:s17+$0xFFFFFAFB]  }
0x1a5: {  	v5 =	vadd.f32 v5, v10;
	v6 =	vadd.f32 v6, v8;
	v9 =	vld [tilespmem:s17+$0xFFFFFBFC]  }
0x1a6: {  	v10 =	vadd.f32 v18, v17;
	v8 =	vld [tilespmem:s17+$0xFFFFFCFD];
	v7 =	vadd.f32 v19, v7  }
0x1a7: {  	v11 =	vadd.f32 v11, v15;
	v12 =	vadd.f32 v4, v12;
	v13 =	vld [tilespmem:s17+$0xFFFFFDFE]  }
0x1a8: {  	v5 =	vadd.f32 v6, v5;
	v15 =	vld [tilespmem:s17+$0xFFFFFEFF];
	v6 =	vadd.f32 v7, v10  }
0x1a9: {  	v7 =	vld [tilespmem:s17+$0x0];
	v4 =	vadd.f32 v14, v20  }
0x1aa: {  	v11 =	vadd.f32 v12, v11;
	v10 =	vld [tilespmem:s17+$0x101];
	v5 =	vadd.f32 v6, v5  }
0x1ab: {  	v6 =	vld [tilespmem:s17+$0x202];
	v8 =	vadd.f32 v8, v9  }
0x1ac: {  	v9 =	vld [tilespmem:s17+$0x303];
	v5 =	vadd.f32 v5, v11  }
0x1ad: {  	v11 =	vld [tilespmem:s17+$0x404];
	v12 =	vadd.f32 v15, v13  }
0x1ae: {  	v13 =	vld [tilespmem:s17+$0x505];
	v14 =	vmul.f32 $1.767766920e-01, v5  }
0x1af: {  	s13 =	sadd.s32 $0x40, s13;
	v15 =	vld [tilespmem:s17+$0x606];
	v7 =	vadd.f32 v10, v7;
	v5 =	vadd.f32 v12, v8  }
0x1b0: {  	v8 =	vld [tilespmem:s17+$0x707];
	[tilespmem:s13+$0x10] =	vst v14  }
0x1b1: {  	v6 =	vadd.f32 v9, v6;
	v9 =	vld [tilespmem:s17+$0xFFFFF808]  }
0x1b2: {  	v10 =	vld [tilespmem:s17+$0xFFFFF909]  }
0x1b3: {  	v11 =	vadd.f32 v13, v11;
	v6 =	vadd.f32 v6, v7;
	v7 =	vld [tilespmem:s17+$0xFFFFFA0A]  }
0x1b4: {  	v12 =	vld [tilespmem:s17+$0xFFFFFB0B]  }
0x1b5: {  	v8 =	vadd.f32 v8, v15;
	v13 =	vld [tilespmem:s17+$0xFFFFFC0C]  }
0x1b6: {  	v14 =	vld [tilespmem:s17+$0xFFFFFD0D]  }
0x1b7: {  	v8 =	vadd.f32 v8, v11;
	v11 =	vld [tilespmem:s17+$0xFFFFFE0E];
	v9 =	vadd.f32 v10, v9  }
0x1b8: {  	v10 =	vld [tilespmem:s17+$0xFFFFFF0F]  }
0x1b9: {  	v6 =	vadd.f32 v8, v6;
	v8 =	vld [tilespmem:s17+$0x10];
	v7 =	vadd.f32 v12, v7  }
0x1ba: {  	v12 =	vld [tilespmem:s17+$0x111]  }
0x1bb: {  	v15 =	vld [tilespmem:s17+$0x212];
	v13 =	vadd.f32 v14, v13;
	v7 =	vadd.f32 v7, v9  }
0x1bc: {  	v9 =	vld [tilespmem:s17+$0x313]  }
0x1bd: {  	v14 =	vld [tilespmem:s17+$0x414];
	v10 =	vadd.f32 v10, v11  }
0x1be: {  	v11 =	vld [tilespmem:s17+$0x515]  }
0x1bf: {  	v16 =	vld [tilespmem:s17+$0x616];
	v8 =	vadd.f32 v12, v8;
	v10 =	vadd.f32 v10, v13  }
0x1c0: {  	v12 =	vld [tilespmem:s17+$0x717]  }
0x1c1: {  	v9 =	vadd.f32 v9, v15;
	v7 =	vadd.f32 v10, v7;
	v10 =	vld [tilespmem:s17+$0xFFFFF818]  }
0x1c2: {  	v13 =	vld [tilespmem:s17+$0xFFFFF919]  }
0x1c3: {  	v11 =	vadd.f32 v11, v14;
	v8 =	vadd.f32 v9, v8;
	v9 =	vld [tilespmem:s17+$0xFFFFFA1A]  }
0x1c4: {  	v14 =	vld [tilespmem:s17+$0xFFFFFB1B]  }
0x1c5: {  	v12 =	vadd.f32 v12, v16;
	v15 =	vld [tilespmem:s17+$0xFFFFFC1C]  }
0x1c6: {  	v16 =	vld [tilespmem:s17+$0xFFFFFD1D]  }
0x1c7: {  	v11 =	vadd.f32 v12, v11;
	v12 =	vld [tilespmem:s17+$0xFFFFFE1E];
	v10 =	vadd.f32 v13, v10  }
0x1c8: {  	v13 =	vld [tilespmem:s17+$0xFFFFFF1F]  }
0x1c9: {  	v8 =	vadd.f32 v11, v8;
	v11 =	vld [tilespmem:s17+$0x20];
	v9 =	vadd.f32 v14, v9  }
0x1ca: {  	v14 =	vld [tilespmem:s17+$0x121]  }
0x1cb: {  	v17 =	vld [tilespmem:s17+$0x222];
	v15 =	vadd.f32 v16, v15;
	v16 =	vadd.f32 v9, v10  }
0x1cc: {  	v8 =	vadd.f32 v8, v7;
	v18 =	vld [tilespmem:s17+$0x323]  }
.Ltmp4:
0x1cd: {  	v7 =	vld [tilespmem:s17+$0x424];
	v12 =	vadd.f32 v13, v12;
	(pc) =	sbr.rel @p0 .LBB2_9-.Ltmp4, $4  }
0x1ce: {  	v8 =	vmul.f32 $1.767766920e-01, v8;
	v10 =	vld [tilespmem:s17+$0x525]  }
0x1cf: {  	v9 =	vld [tilespmem:s17+$0x626];
	v11 =	vadd.f32 v14, v11;
	v15 =	vadd.f32 v12, v15  }
0x1d0: {  	[tilespmem:s13+$0xFFFFFFF0] =	vst v8;
	v12 =	vld [tilespmem:s17+$0x727]  }
0x1d1: {  	v13 =	vld [tilespmem:s17+$0xFFFFF7F8];
	v14 =	vadd.f32 v18, v17;
	v8 =	vadd.f32 v15, v16;
	s17 =	sadd.s32 $0x40, s17  }
.LBB2_10:
0x1d2: {  	_ =	sdelay $0x2  }
0x1d3: {  	v7 =	vadd.f32 v10, v7;
	v9 =	vadd.f32 v12, v9  }
0x1d4: {  	v3 =	vadd.f32 v3, v13  }
0x1d5: {  	v62 =	vadd.f32 v14, v11;
	v7 =	vadd.f32 v9, v7  }
0x1d6: {  	v3 =	vadd.f32 v4, v3  }
0x1d7: {  	v63 =	vadd.f32 v7, v62  }
0x1d8: {  	v3 =	vadd.f32 v5, v3  }
0x1d9: {  	p0 =	seq.s32 s9, $0x3F;
	v4 =	vadd.f32 v63, v8  }
.Ltmp5:
0x1da: {  	v3 =	vadd.f32 v6, v3;
	(pc) =	sbr.rel @!p0 .LBB2_11-.Ltmp5, $4  }
0x1db: {  	v4 =	vmul.f32 $1.767766920e-01, v4  }
0x1dc: {  	v3 =	vmul.f32 $1.767766920e-01, v3  }
0x1dd: {  	[tilespmem:s13+$0x0] =	vst v4  }
0x1de: {  	[tilespmem:s13+$0xFFFFFFE0] =	vst v3  }
0x1df: {  	_ =	swait.ge [sflag:s3], $0x2000  }
.Ltmp6:
0x1e0: {  	[sflag:s3] =	ssyncset.done $0x0;
	(pc) =	sbr.rel .LBB2_14-.Ltmp6, $4  }
0x1e1: {  	[sflag:s3] =	ssyncadd.s32 $0xFFFFE000  }
0x1e2: {  	_ =	swait.ge [sflag:s3], $0x2000  }
0x1e3: {  	[sflag:s3] =	ssyncset.done $0x0  }
0x1e4: {  	[sflag:s3] =	ssyncadd.s32 $0xFFFFE000  }
.LBB2_11:
0x1e5: {  	_ =	swait.ge [sflag:s22], $0x100  }
0x1e6: {  	[sflag:s22] =	ssyncset.done $0x0  }
0x1e7: {  	[sflag:s22] =	ssyncadd.s32 $0xFFFFFF00  }
0x1e8: {  	_ =	swait.ge [sflag:s22], $0x100  }
0x1e9: {  	[sflag:s22] =	ssyncset.done $0x0  }
0x1ea: {  	s17 =	simm.s32 $0x20;
	[sflag:s22] =	ssyncadd.s32 $0xFFFFFF00  }
0x1eb: {  	v3 =	vld [tilespmem:s17+$0x10];
	_ =	sdelay $0x3  }
0x1ec: {  	v4 =	vld [tilespmem:s17+$0xFFFFFFF0]  }
0x1ed: {  	v5 =	vld [tilespmem:s17+$0xFFFFFFE0];
	v3 =	vadd.s32 v0, v3  }
0x1ee: {  	s13 =	simm.s32 $0x120;
	v6 =	vld [tilespmem:s17+$0x0];
	[tilespmem:s17+$0x10] =	vst v3  }
0x1ef: {  	s16 =	simm.s32 $0x60;
	v7 =	vld [tilespmem:s13+$0x10]  }
0x1f0: {  	v8 =	vld [tilespmem:s16+$0x10]  }
0x1f1: {  	v9 =	vld [tilespmem:s16+$0xFFFFFFF0];
	v3 =	vadd.s32 v0, v4  }
0x1f2: {  	v10 =	vld [tilespmem:s16+$0x0];
	[tilespmem:s17+$0xFFFFFFF0] =	vst v3;
	v3 =	vadd.s32 v0, v5  }
0x1f3: {  	v4 =	vadd.s32 v0, v6;
	v6 =	vld [tilespmem:s16+$0xFFFFFFE0];
	[tilespmem:s17+$0xFFFFFFE0] =	vst v3  }
0x1f4: {  	[tilespmem:s17+$0x0] =	vst v4;
	v3 =	vld [tilespmem:s13+$0xFFFFFFE0];
	v5 =	vadd.s32 v0, v7  }
0x1f5: {  	v4 =	vld [tilespmem:s13+$0xFFFFFFF0];
	v7 =	vadd.s32 v0, v8;
	[tilespmem:s13+$0x10] =	vst v5  }
0x1f6: {  	s17 =	simm.s32 $0x160;
	v8 =	vadd.s32 v0, v9;
	[tilespmem:s16+$0x10] =	vst v7;
	v5 =	vld [tilespmem:s13+$0x0]  }
0x1f7: {  	s18 =	simm.s32 $0x4;
	s20 =	simm.s32 $0xA0;
	[tilespmem:s16+$0xFFFFFFF0] =	vst v8;
	v8 =	vadd.s32 v0, v10;
	v7 =	vld [tilespmem:s17+$0x10]  }
.LBB2_12:
0x1f8: {  	v9 =	vld [tilespmem:s20+$0x10];
	s18 =	sadd.s32 $0x4, s18;
	v6 =	vadd.s32 v0, v6;
	[tilespmem:s16+$0x0] =	vst v8  }
0x1f9: {  	v8 =	vld [tilespmem:s20+$0xFFFFFFF0];
	p0 =	slt.u32 s18, $0xC;
	[tilespmem:s16+$0xFFFFFFE0] =	vst v6;
	v3 =	vadd.s32 v0, v3;
	s16 =	smov.u32 s20  }
0x1fa: {  	v10 =	vld [tilespmem:s20+$0x0];
	[tilespmem:s13+$0xFFFFFFE0] =	vst v3;
	v3 =	vadd.s32 v0, v4  }
.Ltmp7:
0x1fb: {  	v6 =	vld [tilespmem:s20+$0xFFFFFFE0];
	[tilespmem:s13+$0xFFFFFFF0] =	vst v3;
	v4 =	vadd.s32 v0, v5;
	(pc) =	sbr.rel @p0 .LBB2_12-.Ltmp7, $4  }
0x1fc: {  	v3 =	vld [tilespmem:s17+$0xFFFFFFE0];
	v5 =	vadd.s32 v0, v7;
	[tilespmem:s13+$0x0] =	vst v4;
	s13 =	smov.u32 s17  }
0x1fd: {  	v7 =	vadd.s32 v0, v9;
	v4 =	vld [tilespmem:s17+$0xFFFFFFF0];
	[tilespmem:s17+$0x10] =	vst v5  }
0x1fe: {  	s17 =	sadd.s32 $0x40, s17;
	v8 =	vadd.s32 v0, v8;
	[tilespmem:s20+$0x10] =	vst v7;
	v5 =	vld [tilespmem:s13+$0x0]  }
0x1ff: {  	s20 =	sadd.s32 $0x40, s20;
	[tilespmem:s16+$0xFFFFFFF0] =	vst v8;
	v8 =	vadd.s32 v0, v10;
	v7 =	vld [tilespmem:s17+$0x10]  }
0x200: {  	v6 =	vadd.s32 v0, v6  }
0x201: {  	[tilespmem:s16+$0xFFFFFFE0] =	vst v6  }
0x202: {  	v6 =	vld [tilespmem:s17+$0xFFFFFFE0]  }
0x203: {  	[tilespmem:s16+$0x0] =	vst v8;
	v61 =	vld [tilespmem:s17+$0xFFFFFFF0];
	v3 =	vadd.s32 v0, v3  }
0x204: {  	v62 =	vld [tilespmem:s17+$0x0];
	[tilespmem:s13+$0xFFFFFFE0] =	vst v3;
	v3 =	vadd.s32 v0, v4  }
0x205: {  	[tilespmem:s13+$0xFFFFFFF0] =	vst v3;
	v3 =	vadd.s32 v0, v5  }
0x206: {  	v63 =	vadd.s32 v0, v7;
	[tilespmem:s13+$0x0] =	vst v3  }
0x207: {  	[tilespmem:s17+$0x10] =	vst v63;
	v3 =	vadd.s32 v0, v6  }
0x208: {  	[tilespmem:s17+$0xFFFFFFE0] =	vst v3;
	v3 =	vadd.s32 v0, v61  }
0x209: {  	[tilespmem:s17+$0xFFFFFFF0] =	vst v3;
	v3 =	vadd.s32 v0, v62  }
0x20a: {  	[tilespmem:s17+$0x0] =	vst v3  }
0x20b: {  	[tilespmem:s23], [sflag:$0x1] =	stream.indirect.gather [spmem:s2], $0x20, s5, s21, $0xb8;
	[tilespmem:$0x19410] =	vst v63  }
0x20c: {  	_ = 	snop  }
0x20d: {  	[tilespmem:s24], [sflag:$0x1] =	stream.indirect.gather [spmem:s4], $0x20, s21, s21, $0xb8;
	[tilespmem:$0x19410] =	vst v63  }
0x20e: {  	_ =	swait.ge [sflag:s3], $0x2000  }
0x20f: {  	[sflag:s3] =	ssyncset.done $0x0  }
0x210: {  	[sflag:s3] =	ssyncadd.s32 $0xFFFFE000  }
0x211: {  	s12 =	sadd.s32 s12, s15;
	_ =	swait.ge [sflag:s3], $0x2000  }
0x212: {  	s12 =	sshrl.u32 s12, $0x3;
	[sflag:s3] =	ssyncset.done $0x0  }
0x213: {  	s20 =	sadd.s32 s1, s12;
	[sflag:s3] =	ssyncadd.s32 $0xFFFFE000  }
0x214: {  	[tilespmem:s25], [sflag:$0x4] =	stream.linear.gather [hbm4b:s20+s5], $0x100, $0x38;
	[tilespmem:$0x19410] =	vst v63  }
0x215: {  	s12 =	sadd.s32 s6, s12  }
0x216: {  	[tilespmem:s26], [sflag:$0x4] =	stream.linear.gather [hbm4b:s12+s5], $0x100, $0x38;
	[tilespmem:$0x19410] =	vst v63  }
.LBB2_14:
0x217: {  	s12 =	simm.s32 $0x4500  }
0x218: {  	s13 =	simm.s32 $0x6500;
	v6 =	vld [tilespmem:s12+$0xE0]  }
0x219: {  	v7 =	vld [tilespmem:s13+$0xE0]  }
0x21a: {  	v8 =	vld [tilespmem:s12+$0xF0]  }
0x21b: {  	v9 =	vld [tilespmem:s13+$0xF0]  }
0x21c: {  	v3 =	vld [tilespmem:s13+$0xFFFFFF00]  }
0x21d: {  	v4 =	vld [tilespmem:s12+$0xFFFFFF10]  }
0x21e: {  	v5 =	vld [tilespmem:s13+$0xFFFFFF10]  }
0x21f: {  	v10 =	vld [tilespmem:s12+$0xFFFFFF20]  }
0x220: {  	v11 =	vld [tilespmem:s13+$0xFFFFFF20]  }
0x221: {  	v12 =	vld [tilespmem:s12+$0xFFFFFF30]  }
0x222: {  	v13 =	vld [tilespmem:s13+$0xFFFFFF30]  }
0x223: {  	v14 =	vld [tilespmem:s12+$0xFFFFFF40]  }
0x224: {  	v15 =	vld [tilespmem:s13+$0xFFFFFF40]  }
0x225: {  	v16 =	vld [tilespmem:s12+$0xFFFFFF50]  }
0x226: {  	v17 =	vld [tilespmem:s13+$0xFFFFFF50]  }
0x227: {  	v18 =	vld [tilespmem:s12+$0xFFFFFF60]  }
0x228: {  	v19 =	vld [tilespmem:s13+$0xFFFFFF60]  }
0x229: {  	v20 =	vld [tilespmem:s12+$0xFFFFFF70]  }
0x22a: {  	v21 =	vld [tilespmem:s13+$0xFFFFFF70]  }
0x22b: {  	v22 =	vld [tilespmem:s12+$0xFFFFFF80]  }
0x22c: {  	v23 =	vld [tilespmem:s13+$0xFFFFFF80]  }
0x22d: {  	v24 =	vld [tilespmem:s12+$0xFFFFFF90]  }
0x22e: {  	v25 =	vld [tilespmem:s13+$0xFFFFFF90]  }
0x22f: {  	v26 =	vld [tilespmem:s12+$0xFFFFFFA0]  }
0x230: {  	v27 =	vld [tilespmem:s13+$0xFFFFFFA0]  }
0x231: {  	v28 =	vld [tilespmem:s12+$0xFFFFFFB0]  }
0x232: {  	v29 =	vld [tilespmem:s13+$0xFFFFFFB0]  }
0x233: {  	v30 =	vld [tilespmem:s12+$0xFFFFFFC0]  }
0x234: {  	v31 =	vld [tilespmem:s13+$0xFFFFFFC0]  }
0x235: {  	v32 =	vld [tilespmem:s12+$0xFFFFFFD0]  }
0x236: {  	v33 =	vld [tilespmem:s13+$0xFFFFFFD0]  }
0x237: {  	v34 =	vld [tilespmem:s12+$0xFFFFFFE0]  }
0x238: {  	v35 =	vld [tilespmem:s13+$0xFFFFFFE0]  }
0x239: {  	v36 =	vld [tilespmem:s12+$0xFFFFFFF0]  }
0x23a: {  	v37 =	vld [tilespmem:s13+$0xFFFFFFF0]  }
0x23b: {  	v38 =	vld [tilespmem:s12+$0x0]  }
0x23c: {  	v39 =	vld [tilespmem:s13+$0x0]  }
0x23d: {  	v40 =	vld [tilespmem:s12+$0x10]  }
0x23e: {  	v41 =	vld [tilespmem:s13+$0x10]  }
0x23f: {  	v42 =	vld [tilespmem:s12+$0x20]  }
0x240: {  	v43 =	vld [tilespmem:s13+$0x20]  }
0x241: {  	v44 =	vld [tilespmem:s12+$0x30]  }
0x242: {  	v45 =	vld [tilespmem:s13+$0x30]  }
0x243: {  	v46 =	vld [tilespmem:s12+$0x40];
	v6 =	vmul.f32 v7, v6  }
0x244: {  	s16 =	simm.s32 $0xF;
	v60 =	vld [tilespmem:s13+$0x70];
	v7 =	vmul.f32 v9, v8;
	v9 =	vmul.f32 v11, v10  }
0x245: {  	v63 =	vld [tilespmem:s12+$0x80];
	v10 =	vadd.s32 s16, v1;
	v11 =	vmul.f32 v13, v12;
	v13 =	vmul.f32 v15, v14  }
0x246: {  	s20 =	simm.s32 $0x1;
	v48 =	vld [tilespmem:s13+$0x80];
	v14 =	vmul.f32 v17, v16;
	v56 =	vmul.f32 v19, v18  }
0x247: {  	v49 =	vld [tilespmem:s12+$0x90];
	v58 =	vmul.f32 v21, v20;
	v6 =	vadd.f32 v7, v6;
	v7 =	vadd.s32 s20, v1  }
0x248: {  	s17 =	simm.s32 $0x2;
	v8 =	vld [tilespmem:s13+$0x40];
	v59 =	vmul.f32 v25, v24;
	v61 =	vmul.f32 v27, v26  }
0x249: {  	v52 =	vld [tilespmem:s13+$0x90];
	v62 =	vmul.f32 v29, v28;
	v9 =	vadd.f32 v11, v9;
	v11 =	vadd.s32 s17, v1;
	s17 =	simm.s32 $0x4  }
0x24a: {  	v53 =	vld [tilespmem:s12+$0xA0];
	v47 =	vmul.f32 v33, v32;
	v50 =	vmul.f32 v35, v34;
	s20 =	simm.s32 $0x3;
	[tilespmem:v10+s0+$0x0] =	vst.idx.msk $0xffff, v6;
	v10 =	vadd.s32 s17, v1  }
0x24b: {  	v12 =	vld [tilespmem:s12+$0x50];
	v54 =	vmul.f32 v39, v38;
	v57 =	vadd.s32 s20, v1;
	s20 =	simm.s32 $0x5;
	v6 =	vmul.f32 v23, v22  }
0x24c: {  	v15 =	vld [tilespmem:s13+$0x50];
	v55 =	vmul.f32 v41, v40;
	v13 =	vadd.f32 v14, v13;
	[tilespmem:v7+s0+$0x0] =	vst.idx.msk $0xffff, v9;
	v9 =	vadd.s32 s20, v1  }
0x24d: {  	v16 =	vld [tilespmem:s12+$0x60];
	v17 =	vadd.f32 v58, v56;
	s17 =	simm.s32 $0x6;
	v8 =	vmul.f32 v8, v46;
	v6 =	vadd.f32 v59, v6;
	s20 =	simm.s32 $0x8  }
0x24e: {  	v20 =	vld [tilespmem:s12+$0x70];
	v7 =	vmul.f32 v31, v30;
	[tilespmem:v11+s0+$0x0] =	vst.idx.msk $0xffff, v13;
	v13 =	vadd.s32 s17, v1;
	s17 =	simm.s32 $0x7;
	v51 =	vadd.s32 s20, v1  }
0x24f: {  	v14 =	vld [tilespmem:s13+$0x60];
	v11 =	vadd.f32 v62, v61;
	v18 =	vand.u32 $0x1FF8, v51;
	[tilespmem:v10+s0+$0x0] =	vst.idx.msk $0xffff, v6;
	v6 =	vadd.s32 s17, v1  }
0x250: {  	v56 =	vld [tilespmem:s13+$0xA0];
	[tilespmem:v57+s0+$0x0] =	vst.idx.msk $0xffff, v17;
	v10 =	vmul.f32 v37, v36;
	v18 =	vor.u32 v2, v18;
	s17 =	simm.s32 $0x9  }
0x251: {  	v58 =	vld [tilespmem:s12+$0xB0];
	v12 =	vmul.f32 v15, v12;
	v7 =	vadd.f32 v47, v7;
	[tilespmem:v9+s0+$0x0] =	vst.idx.msk $0xffff, v11;
	v11 =	vadd.s32 s17, v1  }
0x252: {  	v15 =	vld [tilespmem:s13+$0xB0];
	v57 =	vmul.f32 v45, v44;
	s20 =	simm.s32 $0xA;
	v9 =	vmul.f32 v43, v42;
	v10 =	vadd.f32 v10, v50  }
0x253: {  	v59 =	vld [tilespmem:s12+$0xC0];
	[tilespmem:v13+s0+$0x0] =	vst.idx.msk $0xffff, v7;
	v7 =	vadd.f32 v55, v54;
	v13 =	vadd.s32 s20, v1;
	s17 =	simm.s32 $0xB  }
0x254: {  	v8 =	vadd.f32 v12, v8;
	v12 =	vld [tilespmem:s13+$0xC0];
	s20 =	simm.s32 $0xC;
	[tilespmem:v6+s0+$0x0] =	vst.idx.msk $0xffff, v10;
	v6 =	vadd.f32 v57, v9;
	v9 =	vadd.s32 s17, v1  }
0x255: {  	v62 =	vld [tilespmem:s13+$0xD0];
	[tilespmem:v18+s0+$0x0] =	vst.idx.msk $0xffff, v7;
	v7 =	vmul.f32 v14, v16;
	v10 =	vmul.f32 v60, v20;
	v14 =	vadd.s32 s20, v1;
	s17 =	simm.s32 $0xD  }
0x256: {  	v60 =	vld [tilespmem:s12+$0xD0];
	v61 =	vadd.s32 s17, v1;
	[tilespmem:v11+s0+$0x0] =	vst.idx.msk $0xffff, v6;
	v6 =	vmul.f32 v48, v63;
	v11 =	vmul.f32 v52, v49  }
0x257: {  	s13 =	simm.s32 $0x4700;
	v15 =	vmul.f32 v15, v58;
	v7 =	vadd.f32 v10, v7;
	v63 =	vmul.f32 v56, v53;
	v10 =	vld [tilespmem:s12+$0xFFFFFF00]  }
0x258: {  	s16 =	simm.s32 $0x6700;
	[tilespmem:v13+s0+$0x0] =	vst.idx.msk $0xffff, v8;
	v8 =	vld [tilespmem:s13+$0xE0];
	v6 =	vadd.f32 v11, v6  }
0x259: {  	s20 =	simm.s32 $0xE;
	v13 =	vld [tilespmem:s16+$0xF0];
	v15 =	vadd.f32 v15, v63;
	[tilespmem:v9+s0+$0x0] =	vst.idx.msk $0xffff, v7  }
0x25a: {  	s18 =	simm.s32 $0x0;
	v4 =	vmul.f32 v5, v4;
	v11 =	vld [tilespmem:s13+$0xF0];
	v7 =	vadd.s32 s20, v1;
	[tilespmem:v14+s0+$0x0] =	vst.idx.msk $0xffff, v6  }
0x25b: {  	v12 =	vmul.f32 v12, v59;
	s17 =	simm.s32 $0x20;
	s12 =	simm.s32 $0x10;
	v9 =	vld [tilespmem:s16+$0xE0];
	v6 =	vor.u32 s18, v1;
	[tilespmem:v61+s0+$0x0] =	vst.idx.msk $0xffff, v15;
	v14 =	vmul.f32 v62, v60  }
.LBB2_15:
0x25c: {  	p0 =	slt.u32 s17, $0xF0;
	v5 =	vmul.f32 v3, v10;
	v3 =	vld [tilespmem:s16+$0xFFFFFF00]  }
0x25d: {  	v10 =	vld [tilespmem:s13+$0xFFFFFF10];
	v12 =	vadd.f32 v14, v12  }
0x25e: {  	s18 =	sadd.s32 $0xF, s12;
	v14 =	vld [tilespmem:s16+$0xFFFFFF10];
	v4 =	vadd.f32 v4, v5  }
0x25f: {  	v15 =	vadd.s32 s18, v1;
	v5 =	vld [tilespmem:s13+$0xFFFFFF20];
	[tilespmem:v7+s0+$0x0] =	vst.idx.msk $0xffff, v12  }
0x260: {  	v8 =	vmul.f32 v9, v8;
	v7 =	vld [tilespmem:s16+$0xFFFFFF20];
	v9 =	vmul.f32 v13, v11;
	[tilespmem:v6+s0+$0x0] =	vst.idx.msk $0xffff, v4  }
0x261: {  	v6 =	vld [tilespmem:s13+$0xFFFFFF30]  }
0x262: {  	v11 =	vld [tilespmem:s16+$0xFFFFFF30];
	v8 =	vadd.f32 v9, v8  }
0x263: {  	v4 =	vmul.f32 v14, v10;
	v9 =	vld [tilespmem:s13+$0xFFFFFF40]  }
0x264: {  	v10 =	vld [tilespmem:s16+$0xFFFFFF40];
	[tilespmem:v15+s0+$0x0] =	vst.idx.msk $0xffff, v8  }
0x265: {  	s18 =	sadd.s32 $0x1, s12;
	v5 =	vmul.f32 v7, v5;
	v7 =	vld [tilespmem:s13+$0xFFFFFF50]  }
0x266: {  	v8 =	vadd.s32 s18, v1;
	v12 =	vld [tilespmem:s16+$0xFFFFFF50]  }
0x267: {  	v6 =	vmul.f32 v11, v6;
	v11 =	vld [tilespmem:s13+$0xFFFFFF60]  }
0x268: {  	v13 =	vld [tilespmem:s16+$0xFFFFFF60]  }
0x269: {  	s18 =	sadd.s32 $0x2, s12;
	v5 =	vadd.f32 v6, v5;
	v6 =	vmul.f32 v10, v9;
	v9 =	vld [tilespmem:s13+$0xFFFFFF70]  }
0x26a: {  	v10 =	vadd.s32 s18, v1;
	v14 =	vld [tilespmem:s16+$0xFFFFFF70]  }
0x26b: {  	[tilespmem:v8+s0+$0x0] =	vst.idx.msk $0xffff, v5;
	v5 =	vmul.f32 v12, v7;
	v7 =	vld [tilespmem:s13+$0xFFFFFF80]  }
0x26c: {  	v8 =	vld [tilespmem:s16+$0xFFFFFF80]  }
0x26d: {  	s18 =	sadd.s32 $0x3, s12;
	v5 =	vadd.f32 v5, v6;
	v6 =	vmul.f32 v13, v11;
	v11 =	vld [tilespmem:s13+$0xFFFFFF90]  }
0x26e: {  	v12 =	vadd.s32 s18, v1;
	v13 =	vld [tilespmem:s16+$0xFFFFFF90]  }
0x26f: {  	[tilespmem:v10+s0+$0x0] =	vst.idx.msk $0xffff, v5;
	v5 =	vmul.f32 v14, v9;
	v9 =	vld [tilespmem:s13+$0xFFFFFFA0]  }
0x270: {  	v10 =	vld [tilespmem:s16+$0xFFFFFFA0]  }
0x271: {  	s18 =	sadd.s32 $0x4, s12;
	v5 =	vadd.f32 v5, v6;
	v6 =	vmul.f32 v8, v7;
	v7 =	vld [tilespmem:s13+$0xFFFFFFB0]  }
0x272: {  	v8 =	vadd.s32 s18, v1;
	v14 =	vld [tilespmem:s16+$0xFFFFFFB0]  }
0x273: {  	[tilespmem:v12+s0+$0x0] =	vst.idx.msk $0xffff, v5;
	v5 =	vmul.f32 v13, v11;
	v11 =	vld [tilespmem:s13+$0xFFFFFFC0]  }
0x274: {  	v12 =	vld [tilespmem:s16+$0xFFFFFFC0]  }
0x275: {  	s18 =	sadd.s32 $0x5, s12;
	v5 =	vadd.f32 v5, v6;
	v6 =	vmul.f32 v10, v9;
	v9 =	vld [tilespmem:s13+$0xFFFFFFD0]  }
0x276: {  	v10 =	vadd.s32 s18, v1;
	v13 =	vld [tilespmem:s16+$0xFFFFFFD0]  }
0x277: {  	[tilespmem:v8+s0+$0x0] =	vst.idx.msk $0xffff, v5;
	v5 =	vmul.f32 v14, v7;
	v7 =	vld [tilespmem:s13+$0xFFFFFFE0]  }
0x278: {  	v8 =	vld [tilespmem:s16+$0xFFFFFFE0]  }
0x279: {  	s18 =	sadd.s32 $0x6, s12;
	v5 =	vadd.f32 v5, v6;
	v6 =	vmul.f32 v12, v11;
	v11 =	vld [tilespmem:s13+$0xFFFFFFF0]  }
0x27a: {  	v12 =	vadd.s32 s18, v1;
	v14 =	vld [tilespmem:s16+$0xFFFFFFF0]  }
0x27b: {  	[tilespmem:v10+s0+$0x0] =	vst.idx.msk $0xffff, v5;
	v5 =	vmul.f32 v13, v9;
	v9 =	vld [tilespmem:s13+$0x0]  }
0x27c: {  	v10 =	vld [tilespmem:s16+$0x0]  }
0x27d: {  	s18 =	sadd.s32 $0x7, s12;
	v5 =	vadd.f32 v5, v6;
	v6 =	vmul.f32 v8, v7;
	v7 =	vld [tilespmem:s13+$0x10]  }
0x27e: {  	v8 =	vadd.s32 s18, v1;
	v13 =	vld [tilespmem:s16+$0x10]  }
0x27f: {  	s18 =	sadd.s32 $0x8, s12;
	[tilespmem:v12+s0+$0x0] =	vst.idx.msk $0xffff, v5;
	v5 =	vmul.f32 v14, v11;
	v11 =	vld [tilespmem:s13+$0x20]  }
0x280: {  	v12 =	vadd.s32 s18, v1;
	v14 =	vld [tilespmem:s16+$0x20]  }
0x281: {  	v5 =	vadd.f32 v5, v6;
	v6 =	vmul.f32 v10, v9;
	v9 =	vand.u32 $0x1FF8, v12;
	v10 =	vld [tilespmem:s13+$0x30]  }
0x282: {  	v9 =	vor.u32 v2, v9;
	v12 =	vld [tilespmem:s16+$0x30]  }
0x283: {  	[tilespmem:v8+s0+$0x0] =	vst.idx.msk $0xffff, v5;
	v5 =	vmul.f32 v13, v7;
	v7 =	vld [tilespmem:s13+$0x40]  }
0x284: {  	v8 =	vld [tilespmem:s16+$0x40]  }
0x285: {  	s18 =	sadd.s32 $0x9, s12;
	v5 =	vadd.f32 v5, v6;
	v6 =	vmul.f32 v14, v11;
	v11 =	vld [tilespmem:s13+$0x50]  }
0x286: {  	v13 =	vadd.s32 s18, v1;
	v14 =	vld [tilespmem:s16+$0x50]  }
0x287: {  	[tilespmem:v9+s0+$0x0] =	vst.idx.msk $0xffff, v5;
	v5 =	vmul.f32 v12, v10;
	v9 =	vld [tilespmem:s13+$0x60]  }
0x288: {  	v10 =	vld [tilespmem:s16+$0x60]  }
0x289: {  	s18 =	sadd.s32 $0xA, s12;
	v5 =	vadd.f32 v5, v6;
	v6 =	vmul.f32 v8, v7;
	v7 =	vld [tilespmem:s13+$0x70]  }
0x28a: {  	v8 =	vadd.s32 s18, v1;
	v12 =	vld [tilespmem:s16+$0x70]  }
0x28b: {  	[tilespmem:v13+s0+$0x0] =	vst.idx.msk $0xffff, v5;
	v5 =	vmul.f32 v14, v11;
	v11 =	vld [tilespmem:s13+$0x80]  }
0x28c: {  	v13 =	vld [tilespmem:s16+$0x80]  }
0x28d: {  	s18 =	sadd.s32 $0xB, s12;
	v5 =	vadd.f32 v5, v6;
	v6 =	vmul.f32 v10, v9;
	v9 =	vld [tilespmem:s13+$0x90]  }
0x28e: {  	v10 =	vadd.s32 s18, v1;
	v14 =	vld [tilespmem:s16+$0x90]  }
0x28f: {  	[tilespmem:v8+s0+$0x0] =	vst.idx.msk $0xffff, v5;
	v5 =	vmul.f32 v12, v7;
	v7 =	vld [tilespmem:s13+$0xA0]  }
0x290: {  	v8 =	vld [tilespmem:s16+$0xA0]  }
0x291: {  	s18 =	sadd.s32 $0xC, s12;
	v5 =	vadd.f32 v5, v6;
	v6 =	vmul.f32 v13, v11;
	v11 =	vld [tilespmem:s13+$0xB0]  }
0x292: {  	v12 =	vadd.s32 s18, v1;
	v13 =	vld [tilespmem:s16+$0xB0]  }
0x293: {  	[tilespmem:v10+s0+$0x0] =	vst.idx.msk $0xffff, v5;
	v5 =	vmul.f32 v14, v9;
	v14 =	vld [tilespmem:s13+$0xC0]  }
0x294: {  	v15 =	vld [tilespmem:s16+$0xC0]  }
0x295: {  	s18 =	sadd.s32 $0xD, s12;
	v5 =	vadd.f32 v5, v6;
	v6 =	vmul.f32 v8, v7;
	v16 =	vld [tilespmem:s13+$0xD0]  }
0x296: {  	v17 =	vadd.s32 s18, v1;
	v18 =	vld [tilespmem:s16+$0xD0]  }
.Ltmp8:
0x297: {  	v10 =	vld [tilespmem:s13+$0xFFFFFF00];
	[tilespmem:v12+s0+$0x0] =	vst.idx.msk $0xffff, v5;
	v5 =	vmul.f32 v13, v11;
	s13 =	sadd.s32 $0x200, s13;
	(pc) =	sbr.rel @p0 .LBB2_15-.Ltmp8, $4  }
0x298: {  	s16 =	sadd.s32 $0x200, s16;
	v8 =	vld [tilespmem:s13+$0xE0]  }
0x299: {  	s18 =	sadd.s32 $0xE, s12;
	v9 =	vld [tilespmem:s16+$0xE0];
	v5 =	vadd.f32 v5, v6;
	v12 =	vmul.f32 v15, v14  }
0x29a: {  	v7 =	vadd.s32 s18, v1;
	v11 =	vld [tilespmem:s13+$0xF0]  }
0x29b: {  	v6 =	vor.u32 s12, v1;
	s12 =	smov.u32 s17;
	s17 =	sadd.s32 $0x10, s17;
	v13 =	vld [tilespmem:s16+$0xF0];
	[tilespmem:v17+s0+$0x0] =	vst.idx.msk $0xffff, v5;
	v14 =	vmul.f32 v18, v16  }
0x29c: {  	v5 =	vld [tilespmem:s16+$0xFFFFFF00]  }
0x29d: {  	v15 =	vld [tilespmem:s13+$0xFFFFFF10]  }
0x29e: {  	v16 =	vld [tilespmem:s16+$0xFFFFFF10]  }
0x29f: {  	v17 =	vld [tilespmem:s13+$0xFFFFFF20]  }
0x2a0: {  	v18 =	vld [tilespmem:s16+$0xFFFFFF20]  }
0x2a1: {  	v19 =	vld [tilespmem:s13+$0xFFFFFF30]  }
0x2a2: {  	v20 =	vld [tilespmem:s16+$0xFFFFFF30]  }
0x2a3: {  	v21 =	vld [tilespmem:s13+$0xFFFFFF40]  }
0x2a4: {  	v22 =	vld [tilespmem:s16+$0xFFFFFF40]  }
0x2a5: {  	v23 =	vld [tilespmem:s13+$0xFFFFFF50]  }
0x2a6: {  	v24 =	vld [tilespmem:s16+$0xFFFFFF50]  }
0x2a7: {  	v25 =	vld [tilespmem:s13+$0xFFFFFF60]  }
0x2a8: {  	v26 =	vld [tilespmem:s16+$0xFFFFFF60]  }
0x2a9: {  	v27 =	vld [tilespmem:s13+$0xFFFFFF70]  }
0x2aa: {  	v28 =	vld [tilespmem:s16+$0xFFFFFF70]  }
0x2ab: {  	v29 =	vld [tilespmem:s13+$0xFFFFFF80]  }
0x2ac: {  	v30 =	vld [tilespmem:s16+$0xFFFFFF80]  }
0x2ad: {  	v31 =	vld [tilespmem:s13+$0xFFFFFF90]  }
0x2ae: {  	v32 =	vld [tilespmem:s16+$0xFFFFFF90]  }
0x2af: {  	v33 =	vld [tilespmem:s13+$0xFFFFFFA0]  }
0x2b0: {  	v34 =	vld [tilespmem:s16+$0xFFFFFFA0]  }
0x2b1: {  	v35 =	vld [tilespmem:s13+$0xFFFFFFB0]  }
0x2b2: {  	v36 =	vld [tilespmem:s16+$0xFFFFFFB0]  }
0x2b3: {  	v37 =	vld [tilespmem:s13+$0xFFFFFFC0]  }
0x2b4: {  	v38 =	vld [tilespmem:s16+$0xFFFFFFC0]  }
0x2b5: {  	v39 =	vld [tilespmem:s13+$0xFFFFFFD0]  }
0x2b6: {  	v40 =	vld [tilespmem:s16+$0xFFFFFFD0]  }
0x2b7: {  	v41 =	vld [tilespmem:s13+$0xFFFFFFE0]  }
0x2b8: {  	v42 =	vld [tilespmem:s16+$0xFFFFFFE0]  }
0x2b9: {  	v43 =	vld [tilespmem:s13+$0xFFFFFFF0]  }
0x2ba: {  	v44 =	vld [tilespmem:s16+$0xFFFFFFF0]  }
0x2bb: {  	v45 =	vld [tilespmem:s13+$0x0]  }
0x2bc: {  	v46 =	vld [tilespmem:s16+$0x0]  }
0x2bd: {  	v47 =	vld [tilespmem:s13+$0x10]  }
0x2be: {  	v48 =	vld [tilespmem:s16+$0x10]  }
0x2bf: {  	v49 =	vld [tilespmem:s13+$0x20]  }
0x2c0: {  	v50 =	vld [tilespmem:s16+$0x20]  }
0x2c1: {  	v51 =	vld [tilespmem:s13+$0x30]  }
0x2c2: {  	v52 =	vld [tilespmem:s16+$0x30]  }
0x2c3: {  	v53 =	vld [tilespmem:s13+$0x40]  }
0x2c4: {  	v54 =	vld [tilespmem:s16+$0x40]  }
0x2c5: {  	v3 =	vmul.f32 v3, v10;
	v10 =	vld [tilespmem:s13+$0x50]  }
0x2c6: {  	v56 =	vld [tilespmem:s16+$0x90];
	v8 =	vmul.f32 v9, v8;
	v9 =	vmul.f32 v13, v11  }
0x2c7: {  	v11 =	vld [tilespmem:s16+$0x50];
	v13 =	vmul.f32 v18, v17;
	v57 =	vmul.f32 v20, v19  }
0x2c8: {  	v12 =	vadd.f32 v14, v12;
	v18 =	vld [tilespmem:s13+$0x60];
	v14 =	vmul.f32 v22, v21;
	v58 =	vmul.f32 v24, v23  }
0x2c9: {  	s17 =	sadd.s32 $0xF, s12;
	v3 =	vadd.f32 v4, v3;
	v20 =	vld [tilespmem:s16+$0x60];
	v4 =	vmul.f32 v26, v25;
	v59 =	vmul.f32 v28, v27  }
0x2ca: {  	s18 =	sadd.s32 $0x1, s12;
	v60 =	vadd.s32 s17, v1;
	v22 =	vld [tilespmem:s13+$0x70];
	v61 =	vmul.f32 v30, v29;
	v63 =	vmul.f32 v32, v31  }
0x2cb: {  	v62 =	vadd.s32 s18, v1;
	s18 =	sadd.s32 $0x3, s12;
	v17 =	vld [tilespmem:s13+$0x80];
	v33 =	vmul.f32 v34, v33;
	v36 =	vmul.f32 v36, v35  }
0x2cc: {  	s20 =	sadd.s32 $0x2, s12;
	[tilespmem:v7+s0+$0x0] =	vst.idx.msk $0xffff, v12;
	v12 =	vadd.s32 s18, v1;
	v24 =	vld [tilespmem:s16+$0x80];
	v7 =	vmul.f32 v38, v37;
	v55 =	vmul.f32 v40, v39  }
0x2cd: {  	v34 =	vadd.s32 s20, v1;
	v28 =	vld [tilespmem:s13+$0x90];
	v39 =	vmul.f32 v50, v49;
	v40 =	vmul.f32 v52, v51  }
0x2ce: {  	s20 =	sadd.s32 $0x4, s12;
	v37 =	vld [tilespmem:s16+$0xB0];
	v8 =	vadd.f32 v9, v8;
	v9 =	vmul.f32 v16, v15;
	v13 =	vadd.f32 v57, v13  }
0x2cf: {  	s18 =	sadd.s32 $0x5, s12;
	[tilespmem:v6+s0+$0x0] =	vst.idx.msk $0xffff, v3;
	v38 =	vld [tilespmem:s13+$0xC0];
	v3 =	vadd.s32 s20, v1;
	v14 =	vadd.f32 v58, v14;
	v4 =	vadd.f32 v59, v4  }
0x2d0: {  	v15 =	vld [tilespmem:s16+$0x70];
	s20 =	sadd.s32 $0x6, s12;
	v6 =	vadd.f32 v63, v61;
	v57 =	vadd.s32 s18, v1;
	v7 =	vadd.f32 v55, v7;
	[tilespmem:v60+s0+$0x0] =	vst.idx.msk $0xffff, v8  }
0x2d1: {  	v58 =	vld [tilespmem:s13+$0xA0];
	v59 =	vadd.s32 s20, v1;
	s18 =	sadd.s32 $0x8, s12;
	v61 =	vmul.f32 v44, v43;
	v8 =	vadd.f32 v36, v33;
	[tilespmem:v62+s0+$0x0] =	vst.idx.msk $0xffff, v13  }
0x2d2: {  	v63 =	vld [tilespmem:s13+$0xB0];
	s20 =	sadd.s32 $0x7, s12;
	v36 =	vmul.f32 v48, v47;
	v13 =	vmul.f32 v42, v41;
	v62 =	vadd.s32 s18, v1;
	[tilespmem:v12+s0+$0x0] =	vst.idx.msk $0xffff, v4  }
0x2d3: {  	v4 =	vadd.s32 s20, v1;
	v10 =	vmul.f32 v11, v10;
	v11 =	vld [tilespmem:s13+$0xD0];
	[tilespmem:v34+s0+$0x0] =	vst.idx.msk $0xffff, v14;
	v35 =	vand.u32 $0x1FF8, v62  }
0x2d4: {  	s18 =	sadd.s32 $0x9, s12;
	v42 =	vld [tilespmem:s16+$0xD0];
	v14 =	vmul.f32 v46, v45;
	v12 =	vadd.f32 v61, v13;
	v13 =	vor.u32 v2, v35  }
0x2d5: {  	v60 =	vld [tilespmem:s16+$0xA0];
	s20 =	sadd.s32 $0xA, s12;
	v18 =	vmul.f32 v20, v18;
	v43 =	vmul.f32 v24, v17;
	[tilespmem:v3+s0+$0x0] =	vst.idx.msk $0xffff, v6;
	v3 =	vadd.s32 s18, v1  }
0x2d6: {  	v41 =	vld [tilespmem:s16+$0xC0];
	v44 =	vmul.f32 v56, v28;
	v6 =	vmul.f32 v54, v53;
	s18 =	sadd.s32 $0xB, s12;
	[tilespmem:v57+s0+$0x0] =	vst.idx.msk $0xffff, v8;
	v8 =	vadd.s32 s20, v1  }
0x2d7: {  	v45 =	vld [tilespmem:s13+$0xFFFFFF00];
	v15 =	vmul.f32 v15, v22;
	v14 =	vadd.f32 v36, v14;
	[tilespmem:v59+s0+$0x0] =	vst.idx.msk $0xffff, v7;
	v7 =	vadd.s32 s18, v1;
	s20 =	sadd.s32 $0xC, s12  }
0x2d8: {  	s17 =	sadd.s32 $0xD, s12;
	v6 =	vadd.f32 v10, v6;
	v10 =	vadd.s32 s20, v1;
	[tilespmem:v4+s0+$0x0] =	vst.idx.msk $0xffff, v12;
	v4 =	vadd.f32 v40, v39  }
0x2d9: {  	s18 =	sadd.s32 $0xE, s12;
	v12 =	vadd.f32 v15, v18;
	v11 =	vmul.f32 v42, v11;
	[tilespmem:v13+s0+$0x0] =	vst.idx.msk $0xffff, v14;
	v14 =	vadd.s32 s17, v1  }
0x2da: {  	v15 =	vadd.s32 s18, v1;
	[tilespmem:v3+s0+$0x0] =	vst.idx.msk $0xffff, v4;
	v3 =	vmul.f32 v60, v58;
	v4 =	vmul.f32 v37, v63  }
0x2db: {  	v13 =	vadd.f32 v44, v43;
	[tilespmem:v8+s0+$0x0] =	vst.idx.msk $0xffff, v6;
	v6 =	vmul.f32 v41, v38;
	v8 =	vor.u32 s12, v1  }
0x2dc: {  	[tilespmem:v7+s0+$0x0] =	vst.idx.msk $0xffff, v12;
	v3 =	vadd.f32 v4, v3;
	v4 =	vmul.f32 v5, v45  }
0x2dd: {  	[tilespmem:v10+s0+$0x0] =	vst.idx.msk $0xffff, v13;
	v5 =	vadd.f32 v11, v6  }
0x2de: {  	[tilespmem:v14+s0+$0x0] =	vst.idx.msk $0xffff, v3;
	v3 =	vadd.f32 v9, v4  }
0x2df: {  	[tilespmem:v15+s0+$0x0] =	vst.idx.msk $0xffff, v5  }
0x2e0: {  	s20 =	simm.s32 $0x8C08;
	[tilespmem:v8+s0+$0x0] =	vst.idx.msk $0xffff, v3  }
0x2e1: {  	v4 =	vld [tilespmem:s20+$0xFFFFF828]  }
0x2e2: {  	v5 =	vld [tilespmem:s20+$0xFFFFF929]  }
0x2e3: {  	v6 =	vld [tilespmem:s20+$0xFFFFFA2A]  }
0x2e4: {  	v7 =	vld [tilespmem:s20+$0xFFFFFB2B]  }
0x2e5: {  	v8 =	vld [tilespmem:s20+$0xFFFFFC2C]  }
0x2e6: {  	v9 =	vld [tilespmem:s20+$0xFFFFFD2D]  }
0x2e7: {  	v10 =	vld [tilespmem:s20+$0xFFFFFE2E]  }
0x2e8: {  	v11 =	vld [tilespmem:s20+$0xFFFFFF2F]  }
0x2e9: {  	v12 =	vld [tilespmem:s20+$0x30]  }
0x2ea: {  	v13 =	vld [tilespmem:s20+$0x131]  }
0x2eb: {  	v14 =	vld [tilespmem:s20+$0x232]  }
0x2ec: {  	v15 =	vld [tilespmem:s20+$0x333]  }
0x2ed: {  	v16 =	vld [tilespmem:s20+$0x434]  }
0x2ee: {  	v17 =	vld [tilespmem:s20+$0x535]  }
0x2ef: {  	v46 =	vld [tilespmem:s20+$0x636]  }
0x2f0: {  	v47 =	vld [tilespmem:s20+$0x737]  }
0x2f1: {  	v20 =	vld [tilespmem:s20+$0xFFFFF9FA]  }
0x2f2: {  	v48 =	vld [tilespmem:s20+$0xFFFFFAFB]  }
0x2f3: {  	v49 =	vld [tilespmem:s20+$0xFFFFFBFC]  }
0x2f4: {  	v50 =	vld [tilespmem:s20+$0xFFFFFCFD]  }
0x2f5: {  	v51 =	vld [tilespmem:s20+$0xFFFFFDFE]  }
0x2f6: {  	v52 =	vld [tilespmem:s20+$0xFFFFFEFF]  }
0x2f7: {  	v53 =	vld [tilespmem:s20+$0x0]  }
0x2f8: {  	v54 =	vld [tilespmem:s20+$0x101]  }
0x2f9: {  	v55 =	vld [tilespmem:s20+$0x202]  }
0x2fa: {  	v56 =	vld [tilespmem:s20+$0x303]  }
0x2fb: {  	v57 =	vld [tilespmem:s20+$0x404]  }
0x2fc: {  	v58 =	vld [tilespmem:s20+$0x505]  }
0x2fd: {  	v32 =	vld [tilespmem:s20+$0x606]  }
0x2fe: {  	v33 =	vld [tilespmem:s20+$0x707]  }
0x2ff: {  	v59 =	vld [tilespmem:s20+$0xFFFFF808]  }
0x300: {  	v60 =	vld [tilespmem:s20+$0xFFFFF909]  }
0x301: {  	v61 =	vld [tilespmem:s20+$0xFFFFFA0A]  }
0x302: {  	v62 =	vld [tilespmem:s20+$0xFFFFFB0B]  }
0x303: {  	v63 =	vld [tilespmem:s20+$0xFFFFFC0C]  }
0x304: {  	v44 =	vld [tilespmem:s20+$0xFFFFFD0D]  }
0x305: {  	v45 =	vld [tilespmem:s20+$0xFFFFFE0E]  }
0x306: {  	v4 =	vadd.f32 v5, v4;
	v5 =	vadd.f32 v7, v6;
	v6 =	vld [tilespmem:s20+$0xFFFFFF0F]  }
0x307: {  	v7 =	vadd.f32 v9, v8;
	v9 =	vld [tilespmem:s20+$0x10]  }
0x308: {  	v8 =	vadd.f32 v11, v10;
	v10 =	vadd.f32 v13, v12;
	v12 =	vld [tilespmem:s20+$0x111]  }
0x309: {  	v11 =	vadd.f32 v15, v14;
	v15 =	vld [tilespmem:s20+$0x212]  }
0x30a: {  	v13 =	vadd.f32 v17, v16;
	v14 =	vadd.f32 v47, v46;
	v47 =	vld [tilespmem:s20+$0x717]  }
0x30b: {  	v46 =	vadd.f32 v52, v51;
	v51 =	vadd.f32 v58, v57;
	v52 =	vld [tilespmem:s20+$0xFFFFFA1A]  }
0x30c: {  	v57 =	vld [tilespmem:s20+$0xFFFFFC1C];
	v4 =	vadd.f32 v5, v4;
	v5 =	vadd.f32 v8, v7  }
0x30d: {  	v58 =	vld [tilespmem:s20+$0xFFFFFF1F];
	v8 =	vadd.f32 v11, v10;
	v10 =	vadd.f32 v14, v13  }
0x30e: {  	v7 =	vld [tilespmem:s20+$0x313];
	v14 =	vadd.f32 v50, v49;
	v49 =	vadd.f32 v54, v53  }
0x30f: {  	v11 =	vld [tilespmem:s20+$0x414];
	v50 =	vadd.f32 v56, v55;
	v53 =	vadd.f32 v60, v59  }
0x310: {  	v13 =	vld [tilespmem:s20+$0x515];
	v54 =	vadd.f32 v62, v61;
	v56 =	vadd.f32 v44, v63  }
0x311: {  	v5 =	vadd.f32 v5, v4;
	v8 =	vadd.f32 v10, v8;
	v10 =	vld [tilespmem:s20+$0x616]  }
0x312: {  	v55 =	vld [tilespmem:s20+$0xFFFFFB1B];
	v4 =	vadd.f32 v48, v20;
	v6 =	vadd.f32 v6, v45  }
0x313: {  	v48 =	vld [tilespmem:s20+$0xFFFFF818];
	v9 =	vadd.f32 v12, v9;
	v8 =	vadd.f32 v8, v5  }
0x314: {  	v12 =	vld [tilespmem:s20+$0xFFFFFD1D];
	v5 =	vadd.f32 v46, v14;
	v7 =	vadd.f32 v7, v15  }
0x315: {  	v14 =	vld [tilespmem:s20+$0xFFFFF919];
	v11 =	vadd.f32 v13, v11;
	v15 =	vadd.f32 v54, v53  }
0x316: {  	v13 =	vld [tilespmem:s20+$0xFFFFFE1E];
	v6 =	vadd.f32 v6, v56;
	v10 =	vadd.f32 v47, v10  }
0x317: {  	v3 =	vld [tilespmem:s20+$0xFFFFF8F9];
	v7 =	vadd.f32 v7, v9  }
0x318: {  	v59 =	vld [tilespmem:s20+$0x222];
	v6 =	vadd.f32 v6, v15;
	v9 =	vadd.f32 v10, v11  }
0x319: {  	v15 =	vld [tilespmem:s20+$0x121];
	v12 =	vadd.f32 v12, v57;
	v10 =	vadd.f32 v33, v32  }
0x31a: {  	v11 =	vld [tilespmem:s20+$0x20];
	v14 =	vadd.f32 v14, v48;
	v7 =	vadd.f32 v9, v7  }
0x31b: {  	p0 =	por $0x1, $0x1;
	v60 =	vld [tilespmem:s20+$0x323];
	v13 =	vadd.f32 v58, v13;
	v9 =	vadd.f32 v55, v52  }
.Ltmp9:
0x31c: {  	v61 =	vadd.f32 v10, v51;
	v10 =	vld [tilespmem:s20+$0x525];
	v6 =	vadd.f32 v7, v6;
	(pc) =	sbr.rel @!p0 .LBB2_18-.Ltmp9, $4  }
0x31d: {  	v16 =	vadd.f32 v50, v49;
	v8 =	vmul.f32 $1.767766920e-01, v8;
	v7 =	vld [tilespmem:s20+$0x424]  }
0x31e: {  	v63 =	vadd.f32 v13, v12;
	v12 =	vld [tilespmem:s20+$0x727];
	v62 =	vadd.f32 v9, v14;
	v14 =	vmul.f32 $1.767766920e-01, v6  }
0x31f: {  	[tilespmem:s11+$0x0] =	vst v8;
	v9 =	vld [tilespmem:s20+$0x626];
	v11 =	vadd.f32 v15, v11;
	v6 =	vadd.f32 v61, v16  }
0x320: {  	s16 =	simm.s32 $0x8C48;
	s13 =	simm.s32 $0x0;
	s12 =	smov.u32 s11;
	v13 =	vld [tilespmem:s20+$0xFFFFF7F8];
	v8 =	vadd.f32 v63, v62;
	[tilespmem:s11+$0xFFFFFFE0] =	vst v14;
	v14 =	vadd.f32 v60, v59  }
.LBB2_17:
0x321: {  	v15 =	vld [tilespmem:s16+$0xFFFFF828]  }
0x322: {  	v16 =	vld [tilespmem:s16+$0xFFFFF929];
	v7 =	vadd.f32 v10, v7;
	v10 =	vadd.f32 v14, v11  }
0x323: {  	v11 =	vld [tilespmem:s16+$0xFFFFFA2A]  }
0x324: {  	v14 =	vld [tilespmem:s16+$0xFFFFFB2B];
	v9 =	vadd.f32 v12, v9  }
0x325: {  	v12 =	vld [tilespmem:s16+$0xFFFFFC2C];
	v3 =	vadd.f32 v3, v13  }
0x326: {  	v13 =	vld [tilespmem:s16+$0xFFFFFD2D];
	v7 =	vadd.f32 v9, v7  }
0x327: {  	v9 =	vld [tilespmem:s16+$0xFFFFFE2E];
	v3 =	vadd.f32 v4, v3  }
0x328: {  	v4 =	vld [tilespmem:s16+$0xFFFFFF2F];
	v7 =	vadd.f32 v7, v10  }
0x329: {  	v10 =	vld [tilespmem:s16+$0x30];
	v3 =	vadd.f32 v5, v3  }
0x32a: {  	v5 =	vld [tilespmem:s16+$0x131];
	v7 =	vadd.f32 v7, v8  }
0x32b: {  	v8 =	vld [tilespmem:s16+$0x232];
	v3 =	vadd.f32 v6, v3  }
0x32c: {  	v6 =	vld [tilespmem:s16+$0x333];
	v7 =	vmul.f32 $1.767766920e-01, v7  }
0x32d: {  	v17 =	vld [tilespmem:s16+$0x434];
	v3 =	vmul.f32 $1.767766920e-01, v3  }
0x32e: {  	v18 =	vld [tilespmem:s16+$0x535];
	[tilespmem:s12+$0xFFFFFFF0] =	vst v7  }
0x32f: {  	v7 =	vld [tilespmem:s16+$0x636];
	[tilespmem:s12+$0xFFFFFFD0] =	vst v3  }
0x330: {  	s13 =	sadd.s32 $0x4, s13;
	v19 =	vld [tilespmem:s16+$0x737]  }
0x331: {  	p0 =	slt.u32 s13, $0xC;
	v3 =	vld [tilespmem:s16+$0xFFFFF8F9]  }
0x332: {  	v15 =	vadd.f32 v16, v15;
	v11 =	vadd.f32 v14, v11;
	v20 =	vld [tilespmem:s16+$0xFFFFF9FA]  }
0x333: {  	v12 =	vadd.f32 v13, v12;
	v4 =	vadd.f32 v4, v9;
	v14 =	vld [tilespmem:s16+$0xFFFFFAFB]  }
0x334: {  	v5 =	vadd.f32 v5, v10;
	v6 =	vadd.f32 v6, v8;
	v9 =	vld [tilespmem:s16+$0xFFFFFBFC]  }
0x335: {  	v10 =	vadd.f32 v18, v17;
	v8 =	vld [tilespmem:s16+$0xFFFFFCFD];
	v7 =	vadd.f32 v19, v7  }
0x336: {  	v11 =	vadd.f32 v11, v15;
	v12 =	vadd.f32 v4, v12;
	v13 =	vld [tilespmem:s16+$0xFFFFFDFE]  }
0x337: {  	v5 =	vadd.f32 v6, v5;
	v15 =	vld [tilespmem:s16+$0xFFFFFEFF];
	v6 =	vadd.f32 v7, v10  }
0x338: {  	v7 =	vld [tilespmem:s16+$0x0];
	v4 =	vadd.f32 v14, v20  }
0x339: {  	v11 =	vadd.f32 v12, v11;
	v10 =	vld [tilespmem:s16+$0x101];
	v5 =	vadd.f32 v6, v5  }
0x33a: {  	v6 =	vld [tilespmem:s16+$0x202];
	v8 =	vadd.f32 v8, v9  }
0x33b: {  	v9 =	vld [tilespmem:s16+$0x303];
	v5 =	vadd.f32 v5, v11  }
0x33c: {  	v11 =	vld [tilespmem:s16+$0x404];
	v12 =	vadd.f32 v15, v13  }
0x33d: {  	v13 =	vld [tilespmem:s16+$0x505];
	v14 =	vmul.f32 $1.767766920e-01, v5  }
0x33e: {  	s12 =	sadd.s32 $0x40, s12;
	v15 =	vld [tilespmem:s16+$0x606];
	v7 =	vadd.f32 v10, v7;
	v5 =	vadd.f32 v12, v8  }
0x33f: {  	v8 =	vld [tilespmem:s16+$0x707];
	[tilespmem:s12+$0x0] =	vst v14  }
0x340: {  	v6 =	vadd.f32 v9, v6;
	v9 =	vld [tilespmem:s16+$0xFFFFF808]  }
0x341: {  	v10 =	vld [tilespmem:s16+$0xFFFFF909]  }
0x342: {  	v11 =	vadd.f32 v13, v11;
	v6 =	vadd.f32 v6, v7;
	v7 =	vld [tilespmem:s16+$0xFFFFFA0A]  }
0x343: {  	v12 =	vld [tilespmem:s16+$0xFFFFFB0B]  }
0x344: {  	v8 =	vadd.f32 v8, v15;
	v13 =	vld [tilespmem:s16+$0xFFFFFC0C]  }
0x345: {  	v14 =	vld [tilespmem:s16+$0xFFFFFD0D]  }
0x346: {  	v8 =	vadd.f32 v8, v11;
	v11 =	vld [tilespmem:s16+$0xFFFFFE0E];
	v9 =	vadd.f32 v10, v9  }
0x347: {  	v10 =	vld [tilespmem:s16+$0xFFFFFF0F]  }
0x348: {  	v6 =	vadd.f32 v8, v6;
	v8 =	vld [tilespmem:s16+$0x10];
	v7 =	vadd.f32 v12, v7  }
0x349: {  	v12 =	vld [tilespmem:s16+$0x111]  }
0x34a: {  	v15 =	vld [tilespmem:s16+$0x212];
	v13 =	vadd.f32 v14, v13;
	v7 =	vadd.f32 v7, v9  }
0x34b: {  	v9 =	vld [tilespmem:s16+$0x313]  }
0x34c: {  	v14 =	vld [tilespmem:s16+$0x414];
	v10 =	vadd.f32 v10, v11  }
0x34d: {  	v11 =	vld [tilespmem:s16+$0x515]  }
0x34e: {  	v16 =	vld [tilespmem:s16+$0x616];
	v8 =	vadd.f32 v12, v8;
	v10 =	vadd.f32 v10, v13  }
0x34f: {  	v12 =	vld [tilespmem:s16+$0x717]  }
0x350: {  	v9 =	vadd.f32 v9, v15;
	v7 =	vadd.f32 v10, v7;
	v10 =	vld [tilespmem:s16+$0xFFFFF818]  }
0x351: {  	v13 =	vld [tilespmem:s16+$0xFFFFF919]  }
0x352: {  	v11 =	vadd.f32 v11, v14;
	v8 =	vadd.f32 v9, v8;
	v9 =	vld [tilespmem:s16+$0xFFFFFA1A]  }
0x353: {  	v14 =	vld [tilespmem:s16+$0xFFFFFB1B]  }
0x354: {  	v12 =	vadd.f32 v12, v16;
	v15 =	vld [tilespmem:s16+$0xFFFFFC1C]  }
0x355: {  	v16 =	vld [tilespmem:s16+$0xFFFFFD1D]  }
0x356: {  	v11 =	vadd.f32 v12, v11;
	v12 =	vld [tilespmem:s16+$0xFFFFFE1E];
	v10 =	vadd.f32 v13, v10  }
0x357: {  	v13 =	vld [tilespmem:s16+$0xFFFFFF1F]  }
0x358: {  	v8 =	vadd.f32 v11, v8;
	v11 =	vld [tilespmem:s16+$0x20];
	v9 =	vadd.f32 v14, v9  }
0x359: {  	v14 =	vld [tilespmem:s16+$0x121]  }
0x35a: {  	v17 =	vld [tilespmem:s16+$0x222];
	v15 =	vadd.f32 v16, v15;
	v16 =	vadd.f32 v9, v10  }
0x35b: {  	v8 =	vadd.f32 v8, v7;
	v18 =	vld [tilespmem:s16+$0x323]  }
.Ltmp10:
0x35c: {  	v7 =	vld [tilespmem:s16+$0x424];
	v12 =	vadd.f32 v13, v12;
	(pc) =	sbr.rel @p0 .LBB2_17-.Ltmp10, $4  }
0x35d: {  	v8 =	vmul.f32 $1.767766920e-01, v8;
	v10 =	vld [tilespmem:s16+$0x525]  }
0x35e: {  	v9 =	vld [tilespmem:s16+$0x626];
	v11 =	vadd.f32 v14, v11;
	v15 =	vadd.f32 v12, v15  }
0x35f: {  	[tilespmem:s12+$0xFFFFFFE0] =	vst v8;
	v12 =	vld [tilespmem:s16+$0x727]  }
0x360: {  	v13 =	vld [tilespmem:s16+$0xFFFFF7F8];
	v14 =	vadd.f32 v18, v17;
	v8 =	vadd.f32 v15, v16;
	s16 =	sadd.s32 $0x40, s16  }
.LBB2_18:
0x361: {  	_ =	sdelay $0x2  }
0x362: {  	v7 =	vadd.f32 v10, v7;
	v9 =	vadd.f32 v12, v9  }
0x363: {  	v3 =	vadd.f32 v3, v13  }
0x364: {  	v62 =	vadd.f32 v14, v11;
	v7 =	vadd.f32 v9, v7  }
0x365: {  	v3 =	vadd.f32 v4, v3  }
0x366: {  	v63 =	vadd.f32 v7, v62  }
0x367: {  	s9 =	sadd.s32 $0x1, s9;
	v3 =	vadd.f32 v5, v3  }
0x368: {  	p0 =	sne.s32 s9, $0x40;
	v4 =	vadd.f32 v63, v8  }
.Ltmp11:
0x369: {  	v3 =	vadd.f32 v6, v3;
	(pc) =	sbr.rel @p0 .LBB2_4-.Ltmp11, $4  }
0x36a: {  	v4 =	vmul.f32 $1.767766920e-01, v4  }
0x36b: {  	v3 =	vmul.f32 $1.767766920e-01, v3  }
0x36c: {  	[tilespmem:s12+$0xFFFFFFF0] =	vst v4  }
0x36d: {  	s10 =	sadd.s32 $0x200, s10;
	s11 =	sadd.s32 $0x200, s11;
	[tilespmem:s12+$0xFFFFFFD0] =	vst v3  }
0x36e: {  	s9 =	rddreg [dreg:$0xb];
	s10 =	simm.s32 $0x9410  }
0x36f: {  	[hbm4b:s9+s5] =	stream.linear.scatter [tilespmem:s10], [sflag:$0x5], $0x8000, $0x38;
	[tilespmem:$0x19410] =	vst v63  }
0x370: {  	_ =	swait.ge [sflag:s19], $0x8000  }
0x371: {  	s7 =	sadd.s32 $0x1, s7;
	s20 =	rddreg [dreg:$0xc]  }
0x372: {  	p0 =	sne.s32 s7, s20  }
.Ltmp12:
0x373: {  	_ = 	snop;
	(pc) =	sbr.rel @p0 .LBB2_1-.Ltmp12, $3  }
0x374: {  	_ =	sdelay $0x1  }
0x375: {  	[sflag:s19] =	ssyncset.done $0x0  }
0x376: {  	[sflag:s19] =	ssyncadd.s32 $0xFFFF8000  }
0x377: {  	_ =	sfence.sel $0x180000  }
0x378: {  	[bflag:$0x0] =	sbarrier.arrive $0xFFFF  }
0x379: {  	_ =	strace $0x90000047  }
0x37a: {  	s0 =	stileid.u32;
	[bflag:$0x2] =	sbarrier.arrive $0xFFFF  }
0x37b: {  	p0 =	sne.s32 s0, $0x0;
	s0 =	rddreg [dreg:$0x4]  }
0x37c: {  	s0 =	sadd.s32 @!p0 $0x100000, s0  }
0x37d: {  	[sflag:s0] =	ssyncadd.tile.s32 @!p0 $0x1;
	_ =	shalt  }
.Lfunc_end2:
_tile_overlayer_lowered:
.L_overlay_start_2:
0x37e: {  	(tag) =	ssettag $0x2  }
0x37f: {  	s0 =	rddreg [dreg:$0x0];
	s2 =	stileid.u32  }
0x380: {  	s1 =	rddreg [dreg:$0x1];
	p0 =	sne.s32 s2, $0x0  }
0x381: {  	s3 =	rddreg [dreg:$0x2];
	[bflag:$0x3] =	sbarrier.arrive $0xFFFF;
	s2 =	simm.s32 @!p0 $0x1C05  }
0x382: {  	[timem:s3], [sflag:s2] =	dma.local @!p0 [hbm:s0], s1  }
0x383: {  	s0 =	simm.s32 @!p0 $0x5  }
0x384: {  	_ =	swait.ge @!p0 [sflag:s0], s1  }
0x385: {  	s1 =	ssub.s32 @!p0 $0x0, s1;
	[sflag:s0] =	ssyncset.done @!p0 $0x0  }
0x386: {  	[sflag:s0] =	ssyncadd.s32 @!p0 s1  }
0x387: {  	[bflag:$0x3] =	sbarrier.arrive $0xFFFF  }
0x388: {  	_ =	shalt  }

</sc_bundles>
